<compile_context>
chip_gen: v7x
topology: tpu7x:2x2x1
jax: 0.10.2.dev20260603
libtpu: 0.0.44.dev20260713+nightly
codegen_flags: <defaults>
</compile_context>

<pallas_src>
import functools

import jax
import jax.numpy as jnp
from jax import lax
from jax.experimental import pallas as pl
from jax.experimental.pallas import tpu as pltpu
from jax.experimental.pallas import tpu_sc as plsc

VOCAB = 1000000
EMBED = 16
FIELDS = 26
BATCH = 16384

N = BATCH * FIELDS
NC = 2
NS = 16
NW = NC * NS
PER_W = N // NW
CHUNK = 1664
NCHUNK = PER_W // CHUNK


def _make_gather(nchunk):
    per_w = nchunk * CHUNK
    n_out = NW * per_w
    mesh = plsc.VectorSubcoreMesh(core_axis_name="c", subcore_axis_name="s")

    @functools.partial(
        pl.kernel,
        mesh=mesh,
        out_type=jax.ShapeDtypeStruct((n_out, EMBED), jnp.float32),
        scratch_types=[
            pltpu.VMEM((nchunk, CHUNK), jnp.int32),
            pltpu.VMEM((CHUNK, EMBED), jnp.float32),
            pltpu.VMEM((CHUNK, EMBED), jnp.float32),
            pltpu.SemaphoreType.DMA,
            pltpu.SemaphoreType.DMA,
            pltpu.SemaphoreType.DMA,
            pltpu.SemaphoreType.DMA,
        ],
        compiler_params=pltpu.CompilerParams(use_tc_tiling_on_sc=False),
    )
    def gather_k(x_hbm, table_hbm, out_hbm, idx_v, buf0, buf1, g0, g1, s0, s1):
        wid = lax.axis_index("s") * NC + lax.axis_index("c")
        pltpu.sync_copy(x_hbm.at[wid], idx_v)
        base = wid * per_w

        bufs = (buf0, buf1)
        gsems = (g0, g1)
        ssems = (s0, s1)
        gather_h = [None, None]
        store_h = [None, None]

        gather_h[0] = pltpu.async_copy(table_hbm.at[idx_v.at[0]], bufs[0],
                                       gsems[0])
        for j in range(nchunk):
            p = j % 2
            q = (j + 1) % 2
            if j >= 1:
                store_h[q].wait()
            if j + 1 < nchunk:
                gather_h[q] = pltpu.async_copy(
                    table_hbm.at[idx_v.at[j + 1]], bufs[q], gsems[q])
            gather_h[p].wait()
            store_h[p] = pltpu.async_copy(
                bufs[p], out_hbm.at[pl.ds(base + j * CHUNK, CHUNK)], ssems[p])
        store_h[(nchunk - 1) % 2].wait()

    return gather_k


NSPLIT = 2
_gather_half = _make_gather(NCHUNK // NSPLIT)


D_IN = FIELDS * EMBED
GROUP = 4
KDIM = GROUP * D_IN
NGRP = BATCH // GROUP
GB = 512


def _mlp_body(e_ref, w0_ref, b0_ref, w1_ref, b1_ref, w2_ref, o_ref):
    e = e_ref[...].reshape(GB, KDIM)
    h = jnp.dot(e, w0_ref[...], preferred_element_type=jnp.float32)
    h = jnp.maximum(h + b0_ref[...], 0.0)
    h = jnp.dot(h, w1_ref[...], preferred_element_type=jnp.float32)
    h = jnp.maximum(h + b1_ref[...], 0.0)
    logits = jnp.dot(h, w2_ref[...], preferred_element_type=jnp.float32)
    o_ref[...] = 1.0 / (1.0 + jnp.exp(-logits))


def _mlp(emb128, W0b, b0b, W1b, b1b, W2b, ngrp=NGRP):
    rows_per_blk = GB * KDIM // 128
    return pl.pallas_call(
        _mlp_body,
        grid=(ngrp // GB,),
        in_specs=[
            pl.BlockSpec((rows_per_blk, 128), lambda i: (i, 0)),
            pl.BlockSpec((KDIM, GROUP * 64), lambda i: (0, 0)),
            pl.BlockSpec((1, GROUP * 64), lambda i: (0, 0)),
            pl.BlockSpec((GROUP * 64, GROUP * 16), lambda i: (0, 0)),
            pl.BlockSpec((1, GROUP * 16), lambda i: (0, 0)),
            pl.BlockSpec((GROUP * 16, GROUP), lambda i: (0, 0)),
        ],
        out_specs=pl.BlockSpec((GB, GROUP), lambda i: (i, 0)),
        out_shape=jax.ShapeDtypeStruct((ngrp, GROUP), jnp.float32),
    )(emb128, W0b, b0b, W1b, b1b, W2b)


def kernel(x, table, W0, b0, W1, b1, W2):
    idx = x.reshape(NSPLIT, NW, NCHUNK // NSPLIT, CHUNK)
    W0b = jnp.concatenate(
        [jnp.pad(W0, ((D_IN * p, D_IN * (GROUP - 1 - p)), (0, 0)))
         for p in range(GROUP)], axis=1)
    b0b = jnp.tile(b0, (GROUP,)).reshape(1, GROUP * 64)
    W1b = jnp.kron(jnp.eye(GROUP, dtype=jnp.float32), W1)
    b1b = jnp.tile(b1, (GROUP,)).reshape(1, GROUP * 16)
    W2b = jnp.kron(jnp.eye(GROUP, dtype=jnp.float32), W2)
    n_half = N // NSPLIT
    preds = []
    for k in range(NSPLIT):
        rows = _gather_half(idx[k], table)
        emb128 = rows.reshape(n_half * EMBED // 128, 128)
        preds.append(_mlp(emb128, W0b, b0b, W1b, b1b, W2b,
                          ngrp=NGRP // NSPLIT))
    return jnp.concatenate(preds, axis=0).reshape(BATCH, 1)

# --- scband reference (transcript-rebuilt; emitter-appended) ---
"""Pipeline reference for scband-video-game-dnn-88261577933008 (READ-ONLY COPY).

The authoritative reference and input builder live on the scoring server;
editing this copy changes nothing except your own understanding.
"""

import jax, jax.numpy as jnp
import numpy as np

VOCAB = 1000000
EMBED = 16
FIELDS = 26
BATCH = 16384


def setup_inputs(seed: int = 0) -> dict:
    key = jax.random.key(seed)
    ks = jax.random.split(key, 8)
    # sparse feature ids; each of the 26 fields holds one id per example
    x = jax.random.randint(ks[0], (BATCH, FIELDS), 0, VOCAB, dtype=jnp.int32)
    # dynamic embedding store ~ dense table; RandomNormal(mean=-0.1, stddev=0.1)
    table = -0.1 + 0.1 * jax.random.normal(ks[1], (VOCAB, EMBED), dtype=jnp.float32)
    d_in = FIELDS * EMBED  # 416
    W0 = jax.random.normal(ks[2], (d_in, 64), dtype=jnp.float32) * (2.0 / (d_in + 64)) ** 0.5
    b0 = jax.random.normal(ks[3], (64,), dtype=jnp.float32) * 0.05
    W1 = jax.random.normal(ks[4], (64, 16), dtype=jnp.float32) * (2.0 / (64 + 16)) ** 0.5
    b1 = jax.random.normal(ks[5], (16,), dtype=jnp.float32) * 0.05
    W2 = jax.random.normal(ks[6], (16, 1), dtype=jnp.float32) * (2.0 / (16 + 1)) ** 0.5
    return {"x": x, "table": table, "W0": W0, "b0": b0, "W1": W1, "b1": b1, "W2": W2}


def reference(x, table, W0, b0, W1, b1, W2):
    B = x.shape[0]
    # embedding_fn: flatten ids, embedding_lookup (unique-dedup is an optimization;
    # gather result is identical), then per-category sum-pool and concat
    flat = x.reshape(-1)
    embed_w = jnp.take(table, flat, axis=0)            # [B*FIELDS, EMBED]
    per_field = embed_w.reshape(B, FIELDS, 1, EMBED)   # each field matches 1 id/example
    pooled = jnp.sum(per_field, axis=2)                # reduce_sum over matched ids
    embeds = pooled.reshape(B, FIELDS * EMBED)         # concat over categories
    # dnn_net
    h = jax.nn.relu(embeds @ W0 + b0)
    h = jax.nn.relu(h @ W1 + b1)
    logits = h @ W2
    preds = jax.nn.sigmoid(logits)
    return preds

if __name__ == "__main__":
    import jax
    _d = setup_inputs()
    print(jax.jit(kernel)(*tuple(_d.values())))

</pallas_src>

<mosaic_0001>
#map = affine_map<(d0, d1) -> (0, 0, 0)>
#map1 = affine_map<(d0, d1) -> (0, 0)>
module attributes {stable_mosaic.version = 14 : i64} {
  func.func @gather_k(%arg0: i32, %arg1: i32, %arg2: memref<32x4x1664xi32, #tpu.memory_space<hbm>>, %arg3: memref<1000000x16xf32, #tpu.memory_space<hbm>>, %arg4: memref<212992x16xf32, #tpu.memory_space<hbm>>, %arg5: memref<4x1664xi32, #tpu.memory_space<vmem>>, %arg6: memref<1664x16xf32, #tpu.memory_space<vmem>>, %arg7: memref<1664x16xf32, #tpu.memory_space<vmem>>, %arg8: memref<!tpu.dma_semaphore, #tpu.memory_space<semaphore_mem>>, %arg9: memref<!tpu.dma_semaphore, #tpu.memory_space<semaphore_mem>>, %arg10: memref<!tpu.dma_semaphore, #tpu.memory_space<semaphore_mem>>, %arg11: memref<!tpu.dma_semaphore, #tpu.memory_space<semaphore_mem>>) attributes {dimension_semantics = [#tpu.dimension_semantics<core_parallel>, #tpu.dimension_semantics<subcore_parallel>], iteration_bounds = array<i64: 2, 16>, scalar_prefetch = 0 : i64, scratch_operands = 7 : i64, tpu.core_type = #tpu.core_type<sc_vector_subcore>, window_params = [{transform_indices = #map}, {transform_indices = #map1}, {transform_indices = #map1}]} {
    %mul3A = arith.constant 2 : i32
    %mul3A_0 = arith.muli %arg1, %mul3A : i32
    %add3A = arith.addi %mul3A_0, %arg0 : i32
    "tpu.region"() ({
      %run_scoped3A = tpu.sem_alloc : memref<!tpu.dma_semaphore, #tpu.memory_space<semaphore_mem>>
      %dma_start3A_97 = arith.constant 0 : i32
      %dma_start3A_98 = arith.constant 0 : i32
      %dma_start3A_99 = tpu.memref_slice %arg2[%add3A, %dma_start3A_97, %dma_start3A_98] : memref<32x4x1664xi32, #tpu.memory_space<hbm>> -> memref<1x4x1664xi32, #tpu.memory_space<hbm>>
      %dma_start3A_100 = tpu.memref_squeeze %dma_start3A_99 : memref<1x4x1664xi32, #tpu.memory_space<hbm>> -> memref<4x1664xi32, #tpu.memory_space<hbm>>
      %dma_start3A_101 = arith.constant 0 : i32
      %dma_start3A_102 = arith.constant 0 : i32
      %dma_start3A_103 = tpu.memref_slice %arg2[%add3A, %dma_start3A_101, %dma_start3A_102] : memref<32x4x1664xi32, #tpu.memory_space<hbm>> -> memref<1x4x1664xi32, #tpu.memory_space<hbm>>
      %dma_start3A_104 = tpu.memref_squeeze %dma_start3A_103 : memref<1x4x1664xi32, #tpu.memory_space<hbm>> -> memref<4x1664xi32, #tpu.memory_space<hbm>>
      tpu.enqueue_dma source(%dma_start3A_104 : memref<4x1664xi32, #tpu.memory_space<hbm>>) target(%arg5 : memref<4x1664xi32, #tpu.memory_space<vmem>>) target_semaphore(%run_scoped3A : memref<!tpu.dma_semaphore, #tpu.memory_space<semaphore_mem>>)
      %dma_wait3A_105 = arith.constant 0 : i32
      %dma_wait3A_106 = arith.constant 0 : i32
      %dma_wait3A_107 = tpu.memref_slice %arg2[%add3A, %dma_wait3A_105, %dma_wait3A_106] : memref<32x4x1664xi32, #tpu.memory_space<hbm>> -> memref<1x4x1664xi32, #tpu.memory_space<hbm>>
      %dma_wait3A_108 = tpu.memref_squeeze %dma_wait3A_107 : memref<1x4x1664xi32, #tpu.memory_space<hbm>> -> memref<4x1664xi32, #tpu.memory_space<hbm>>
      %dma_wait3A_109 = arith.constant 0 : i32
      %dma_wait3A_110 = arith.constant 0 : i32
      %dma_wait3A_111 = tpu.memref_slice %arg2[%add3A, %dma_wait3A_109, %dma_wait3A_110] : memref<32x4x1664xi32, #tpu.memory_space<hbm>> -> memref<1x4x1664xi32, #tpu.memory_space<hbm>>
      %dma_wait3A_112 = tpu.memref_squeeze %dma_wait3A_111 : memref<1x4x1664xi32, #tpu.memory_space<hbm>> -> memref<4x1664xi32, #tpu.memory_space<hbm>>
      tpu.wait_dma2 semaphore(%run_scoped3A : memref<!tpu.dma_semaphore, #tpu.memory_space<semaphore_mem>>) src(%dma_wait3A_112 : memref<4x1664xi32, #tpu.memory_space<hbm>>) dst(%arg5 : memref<4x1664xi32, #tpu.memory_space<vmem>>)
      tpu.yield
    }) : () -> ()
    %mul3A_1 = arith.constant 6656 : i32
    %mul3A_2 = arith.muli %add3A, %mul3A_1 : i32
    %dma_start3A = arith.constant 0 : i32
    %dma_start3A_3 = arith.constant 0 : i32
    %dma_start3A_4 = tpu.memref_slice %arg5[%dma_start3A, %dma_start3A_3] : memref<4x1664xi32, #tpu.memory_space<vmem>> -> memref<1x1664xi32, #tpu.memory_space<vmem>>
    %dma_start3A_5 = tpu.memref_squeeze %dma_start3A_4 : memref<1x1664xi32, #tpu.memory_space<vmem>> -> memref<1664xi32, #tpu.memory_space<vmem>>
    %dma_start3A_6 = arith.constant 0 : i32
    %dma_start3A_7 = arith.constant 0 : i32
    %dma_start3A_8 = tpu.memref_slice %arg3[%dma_start3A_6, %dma_start3A_7] : memref<1000000x16xf32, #tpu.memory_space<hbm>> -> memref<1000000x16xf32, #tpu.memory_space<hbm>>
    tpu.enqueue_indirect_dma source(%dma_start3A_8 : memref<1000000x16xf32, #tpu.memory_space<hbm>>) target(%arg6 : memref<1664x16xf32, #tpu.memory_space<vmem>>) offsets(%dma_start3A_5 : memref<1664xi32, #tpu.memory_space<vmem>>) semaphore(%arg8 : memref<!tpu.dma_semaphore, #tpu.memory_space<semaphore_mem>>)
    %dma_start3A_9 = arith.constant 1 : i32
    %dma_start3A_10 = arith.constant 0 : i32
    %dma_start3A_11 = tpu.memref_slice %arg5[%dma_start3A_9, %dma_start3A_10] : memref<4x1664xi32, #tpu.memory_space<vmem>> -> memref<1x1664xi32, #tpu.memory_space<vmem>>
    %dma_start3A_12 = tpu.memref_squeeze %dma_start3A_11 : memref<1x1664xi32, #tpu.memory_space<vmem>> -> memref<1664xi32, #tpu.memory_space<vmem>>
    %dma_start3A_13 = arith.constant 0 : i32
    %dma_start3A_14 = arith.constant 0 : i32
    %dma_start3A_15 = tpu.memref_slice %arg3[%dma_start3A_13, %dma_start3A_14] : memref<1000000x16xf32, #tpu.memory_space<hbm>> -> memref<1000000x16xf32, #tpu.memory_space<hbm>>
    tpu.enqueue_indirect_dma source(%dma_start3A_15 : memref<1000000x16xf32, #tpu.memory_space<hbm>>) target(%arg7 : memref<1664x16xf32, #tpu.memory_space<vmem>>) offsets(%dma_start3A_12 : memref<1664xi32, #tpu.memory_space<vmem>>) semaphore(%arg9 : memref<!tpu.dma_semaphore, #tpu.memory_space<semaphore_mem>>)
    %dma_wait3A = arith.constant 0 : i32
    %dma_wait3A_16 = arith.constant 0 : i32
    %dma_wait3A_17 = tpu.memref_slice %arg5[%dma_wait3A, %dma_wait3A_16] : memref<4x1664xi32, #tpu.memory_space<vmem>> -> memref<1x1664xi32, #tpu.memory_space<vmem>>
    %dma_wait3A_18 = tpu.memref_squeeze %dma_wait3A_17 : memref<1x1664xi32, #tpu.memory_space<vmem>> -> memref<1664xi32, #tpu.memory_space<vmem>>
    %dma_wait3A_19 = arith.constant 0 : i32
    %dma_wait3A_20 = arith.constant 0 : i32
    %dma_wait3A_21 = tpu.memref_slice %arg3[%dma_wait3A_19, %dma_wait3A_20] : memref<1000000x16xf32, #tpu.memory_space<hbm>> -> memref<1000000x16xf32, #tpu.memory_space<hbm>>
    tpu.wait_indirect_dma semaphore(%arg8 : memref<!tpu.dma_semaphore, #tpu.memory_space<semaphore_mem>>) src(%dma_wait3A_21 : memref<1000000x16xf32, #tpu.memory_space<hbm>>) dst(%arg6 : memref<1664x16xf32, #tpu.memory_space<vmem>>)
    %add3A_22 = arith.constant 0 : i32
    %add3A_23 = arith.addi %mul3A_2, %add3A_22 : i32
    %dma_start3A_24 = arith.constant 0 : i32
    %dma_start3A_25 = tpu.memref_slice %arg4[%add3A_23, %dma_start3A_24] : memref<212992x16xf32, #tpu.memory_space<hbm>> -> memref<1664x16xf32, #tpu.memory_space<hbm>>
    %dma_start3A_26 = arith.constant 0 : i32
    %dma_start3A_27 = tpu.memref_slice %arg4[%add3A_23, %dma_start3A_26] : memref<212992x16xf32, #tpu.memory_space<hbm>> -> memref<1664x16xf32, #tpu.memory_space<hbm>>
    tpu.enqueue_dma source(%arg6 : memref<1664x16xf32, #tpu.memory_space<vmem>>) target(%dma_start3A_27 : memref<1664x16xf32, #tpu.memory_space<hbm>>) target_semaphore(%arg10 : memref<!tpu.dma_semaphore, #tpu.memory_space<semaphore_mem>>)
    %dma_wait3A_28 = arith.constant 0 : i32
    %dma_wait3A_29 = tpu.memref_slice %arg4[%add3A_23, %dma_wait3A_28] : memref<212992x16xf32, #tpu.memory_space<hbm>> -> memref<1664x16xf32, #tpu.memory_space<hbm>>
    %dma_wait3A_30 = arith.constant 0 : i32
    %dma_wait3A_31 = tpu.memref_slice %arg4[%add3A_23, %dma_wait3A_30] : memref<212992x16xf32, #tpu.memory_space<hbm>> -> memref<1664x16xf32, #tpu.memory_space<hbm>>
    tpu.wait_dma2 semaphore(%arg10 : memref<!tpu.dma_semaphore, #tpu.memory_space<semaphore_mem>>) src(%arg6 : memref<1664x16xf32, #tpu.memory_space<vmem>>) dst(%dma_wait3A_31 : memref<1664x16xf32, #tpu.memory_space<hbm>>)
    %dma_start3A_32 = arith.constant 2 : i32
    %dma_start3A_33 = arith.constant 0 : i32
    %dma_start3A_34 = tpu.memref_slice %arg5[%dma_start3A_32, %dma_start3A_33] : memref<4x1664xi32, #tpu.memory_space<vmem>> -> memref<1x1664xi32, #tpu.memory_space<vmem>>
    %dma_start3A_35 = tpu.memref_squeeze %dma_start3A_34 : memref<1x1664xi32, #tpu.memory_space<vmem>> -> memref<1664xi32, #tpu.memory_space<vmem>>
    %dma_start3A_36 = arith.constant 0 : i32
    %dma_start3A_37 = arith.constant 0 : i32
    %dma_start3A_38 = tpu.memref_slice %arg3[%dma_start3A_36, %dma_start3A_37] : memref<1000000x16xf32, #tpu.memory_space<hbm>> -> memref<1000000x16xf32, #tpu.memory_space<hbm>>
    tpu.enqueue_indirect_dma source(%dma_start3A_38 : memref<1000000x16xf32, #tpu.memory_space<hbm>>) target(%arg6 : memref<1664x16xf32, #tpu.memory_space<vmem>>) offsets(%dma_start3A_35 : memref<1664xi32, #tpu.memory_space<vmem>>) semaphore(%arg8 : memref<!tpu.dma_semaphore, #tpu.memory_space<semaphore_mem>>)
    %dma_wait3A_39 = arith.constant 1 : i32
    %dma_wait3A_40 = arith.constant 0 : i32
    %dma_wait3A_41 = tpu.memref_slice %arg5[%dma_wait3A_39, %dma_wait3A_40] : memref<4x1664xi32, #tpu.memory_space<vmem>> -> memref<1x1664xi32, #tpu.memory_space<vmem>>
    %dma_wait3A_42 = tpu.memref_squeeze %dma_wait3A_41 : memref<1x1664xi32, #tpu.memory_space<vmem>> -> memref<1664xi32, #tpu.memory_space<vmem>>
    %dma_wait3A_43 = arith.constant 0 : i32
    %dma_wait3A_44 = arith.constant 0 : i32
    %dma_wait3A_45 = tpu.memref_slice %arg3[%dma_wait3A_43, %dma_wait3A_44] : memref<1000000x16xf32, #tpu.memory_space<hbm>> -> memref<1000000x16xf32, #tpu.memory_space<hbm>>
    tpu.wait_indirect_dma semaphore(%arg9 : memref<!tpu.dma_semaphore, #tpu.memory_space<semaphore_mem>>) src(%dma_wait3A_45 : memref<1000000x16xf32, #tpu.memory_space<hbm>>) dst(%arg7 : memref<1664x16xf32, #tpu.memory_space<vmem>>)
    %add3A_46 = arith.constant 1664 : i32
    %add3A_47 = arith.addi %mul3A_2, %add3A_46 : i32
    %dma_start3A_48 = arith.constant 0 : i32
    %dma_start3A_49 = tpu.memref_slice %arg4[%add3A_47, %dma_start3A_48] : memref<212992x16xf32, #tpu.memory_space<hbm>> -> memref<1664x16xf32, #tpu.memory_space<hbm>>
    %dma_start3A_50 = arith.constant 0 : i32
    %dma_start3A_51 = tpu.memref_slice %arg4[%add3A_47, %dma_start3A_50] : memref<212992x16xf32, #tpu.memory_space<hbm>> -> memref<1664x16xf32, #tpu.memory_space<hbm>>
    tpu.enqueue_dma source(%arg7 : memref<1664x16xf32, #tpu.memory_space<vmem>>) target(%dma_start3A_51 : memref<1664x16xf32, #tpu.memory_space<hbm>>) target_semaphore(%arg11 : memref<!tpu.dma_semaphore, #tpu.memory_space<semaphore_mem>>)
    %dma_wait3A_52 = arith.constant 0 : i32
    %dma_wait3A_53 = tpu.memref_slice %arg4[%add3A_47, %dma_wait3A_52] : memref<212992x16xf32, #tpu.memory_space<hbm>> -> memref<1664x16xf32, #tpu.memory_space<hbm>>
    %dma_wait3A_54 = arith.constant 0 : i32
    %dma_wait3A_55 = tpu.memref_slice %arg4[%add3A_47, %dma_wait3A_54] : memref<212992x16xf32, #tpu.memory_space<hbm>> -> memref<1664x16xf32, #tpu.memory_space<hbm>>
    tpu.wait_dma2 semaphore(%arg11 : memref<!tpu.dma_semaphore, #tpu.memory_space<semaphore_mem>>) src(%arg7 : memref<1664x16xf32, #tpu.memory_space<vmem>>) dst(%dma_wait3A_55 : memref<1664x16xf32, #tpu.memory_space<hbm>>)
    %dma_start3A_56 = arith.constant 3 : i32
    %dma_start3A_57 = arith.constant 0 : i32
    %dma_start3A_58 = tpu.memref_slice %arg5[%dma_start3A_56, %dma_start3A_57] : memref<4x1664xi32, #tpu.memory_space<vmem>> -> memref<1x1664xi32, #tpu.memory_space<vmem>>
    %dma_start3A_59 = tpu.memref_squeeze %dma_start3A_58 : memref<1x1664xi32, #tpu.memory_space<vmem>> -> memref<1664xi32, #tpu.memory_space<vmem>>
    %dma_start3A_60 = arith.constant 0 : i32
    %dma_start3A_61 = arith.constant 0 : i32
    %dma_start3A_62 = tpu.memref_slice %arg3[%dma_start3A_60, %dma_start3A_61] : memref<1000000x16xf32, #tpu.memory_space<hbm>> -> memref<1000000x16xf32, #tpu.memory_space<hbm>>
    tpu.enqueue_indirect_dma source(%dma_start3A_62 : memref<1000000x16xf32, #tpu.memory_space<hbm>>) target(%arg7 : memref<1664x16xf32, #tpu.memory_space<vmem>>) offsets(%dma_start3A_59 : memref<1664xi32, #tpu.memory_space<vmem>>) semaphore(%arg9 : memref<!tpu.dma_semaphore, #tpu.memory_space<semaphore_mem>>)
    %dma_wait3A_63 = arith.constant 2 : i32
    %dma_wait3A_64 = arith.constant 0 : i32
    %dma_wait3A_65 = tpu.memref_slice %arg5[%dma_wait3A_63, %dma_wait3A_64] : memref<4x1664xi32, #tpu.memory_space<vmem>> -> memref<1x1664xi32, #tpu.memory_space<vmem>>
    %dma_wait3A_66 = tpu.memref_squeeze %dma_wait3A_65 : memref<1x1664xi32, #tpu.memory_space<vmem>> -> memref<1664xi32, #tpu.memory_space<vmem>>
    %dma_wait3A_67 = arith.constant 0 : i32
    %dma_wait3A_68 = arith.constant 0 : i32
    %dma_wait3A_69 = tpu.memref_slice %arg3[%dma_wait3A_67, %dma_wait3A_68] : memref<1000000x16xf32, #tpu.memory_space<hbm>> -> memref<1000000x16xf32, #tpu.memory_space<hbm>>
    tpu.wait_indirect_dma semaphore(%arg8 : memref<!tpu.dma_semaphore, #tpu.memory_space<semaphore_mem>>) src(%dma_wait3A_69 : memref<1000000x16xf32, #tpu.memory_space<hbm>>) dst(%arg6 : memref<1664x16xf32, #tpu.memory_space<vmem>>)
    %add3A_70 = arith.constant 3328 : i32
    %add3A_71 = arith.addi %mul3A_2, %add3A_70 : i32
    %dma_start3A_72 = arith.constant 0 : i32
    %dma_start3A_73 = tpu.memref_slice %arg4[%add3A_71, %dma_start3A_72] : memref<212992x16xf32, #tpu.memory_space<hbm>> -> memref<1664x16xf32, #tpu.memory_space<hbm>>
    %dma_start3A_74 = arith.constant 0 : i32
    %dma_start3A_75 = tpu.memref_slice %arg4[%add3A_71, %dma_start3A_74] : memref<212992x16xf32, #tpu.memory_space<hbm>> -> memref<1664x16xf32, #tpu.memory_space<hbm>>
    tpu.enqueue_dma source(%arg6 : memref<1664x16xf32, #tpu.memory_space<vmem>>) target(%dma_start3A_75 : memref<1664x16xf32, #tpu.memory_space<hbm>>) target_semaphore(%arg10 : memref<!tpu.dma_semaphore, #tpu.memory_space<semaphore_mem>>)
    %dma_wait3A_76 = arith.constant 0 : i32
    %dma_wait3A_77 = tpu.memref_slice %arg4[%add3A_71, %dma_wait3A_76] : memref<212992x16xf32, #tpu.memory_space<hbm>> -> memref<1664x16xf32, #tpu.memory_space<hbm>>
    %dma_wait3A_78 = arith.constant 0 : i32
    %dma_wait3A_79 = tpu.memref_slice %arg4[%add3A_71, %dma_wait3A_78] : memref<212992x16xf32, #tpu.memory_space<hbm>> -> memref<1664x16xf32, #tpu.memory_space<hbm>>
    tpu.wait_dma2 semaphore(%arg10 : memref<!tpu.dma_semaphore, #tpu.memory_space<semaphore_mem>>) src(%arg6 : memref<1664x16xf32, #tpu.memory_space<vmem>>) dst(%dma_wait3A_79 : memref<1664x16xf32, #tpu.memory_space<hbm>>)
    %dma_wait3A_80 = arith.constant 3 : i32
    %dma_wait3A_81 = arith.constant 0 : i32
    %dma_wait3A_82 = tpu.memref_slice %arg5[%dma_wait3A_80, %dma_wait3A_81] : memref<4x1664xi32, #tpu.memory_space<vmem>> -> memref<1x1664xi32, #tpu.memory_space<vmem>>
    %dma_wait3A_83 = tpu.memref_squeeze %dma_wait3A_82 : memref<1x1664xi32, #tpu.memory_space<vmem>> -> memref<1664xi32, #tpu.memory_space<vmem>>
    %dma_wait3A_84 = arith.constant 0 : i32
    %dma_wait3A_85 = arith.constant 0 : i32
    %dma_wait3A_86 = tpu.memref_slice %arg3[%dma_wait3A_84, %dma_wait3A_85] : memref<1000000x16xf32, #tpu.memory_space<hbm>> -> memref<1000000x16xf32, #tpu.memory_space<hbm>>
    tpu.wait_indirect_dma semaphore(%arg9 : memref<!tpu.dma_semaphore, #tpu.memory_space<semaphore_mem>>) src(%dma_wait3A_86 : memref<1000000x16xf32, #tpu.memory_space<hbm>>) dst(%arg7 : memref<1664x16xf32, #tpu.memory_space<vmem>>)
    %add3A_87 = arith.constant 4992 : i32
    %add3A_88 = arith.addi %mul3A_2, %add3A_87 : i32
    %dma_start3A_89 = arith.constant 0 : i32
    %dma_start3A_90 = tpu.memref_slice %arg4[%add3A_88, %dma_start3A_89] : memref<212992x16xf32, #tpu.memory_space<hbm>> -> memref<1664x16xf32, #tpu.memory_space<hbm>>
    %dma_start3A_91 = arith.constant 0 : i32
    %dma_start3A_92 = tpu.memref_slice %arg4[%add3A_88, %dma_start3A_91] : memref<212992x16xf32, #tpu.memory_space<hbm>> -> memref<1664x16xf32, #tpu.memory_space<hbm>>
    tpu.enqueue_dma source(%arg7 : memref<1664x16xf32, #tpu.memory_space<vmem>>) target(%dma_start3A_92 : memref<1664x16xf32, #tpu.memory_space<hbm>>) target_semaphore(%arg11 : memref<!tpu.dma_semaphore, #tpu.memory_space<semaphore_mem>>)
    %dma_wait3A_93 = arith.constant 0 : i32
    %dma_wait3A_94 = tpu.memref_slice %arg4[%add3A_88, %dma_wait3A_93] : memref<212992x16xf32, #tpu.memory_space<hbm>> -> memref<1664x16xf32, #tpu.memory_space<hbm>>
    %dma_wait3A_95 = arith.constant 0 : i32
    %dma_wait3A_96 = tpu.memref_slice %arg4[%add3A_88, %dma_wait3A_95] : memref<212992x16xf32, #tpu.memory_space<hbm>> -> memref<1664x16xf32, #tpu.memory_space<hbm>>
    tpu.wait_dma2 semaphore(%arg11 : memref<!tpu.dma_semaphore, #tpu.memory_space<semaphore_mem>>) src(%arg7 : memref<1664x16xf32, #tpu.memory_space<vmem>>) dst(%dma_wait3A_96 : memref<1664x16xf32, #tpu.memory_space<hbm>>)
    return
  }
}

#map = affine_map<(d0, d1) -> (0, 0, 0)>
#map1 = affine_map<(d0, d1) -> (0, 0)>
module attributes {stable_mosaic.version = 14 : i64} {
  func.func @gather_k(%arg0: i32, %arg1: i32, %arg2: memref<32x4x1664xi32, #tpu.memory_space<hbm>>, %arg3: memref<1000000x16xf32, #tpu.memory_space<hbm>>, %arg4: memref<212992x16xf32, #tpu.memory_space<hbm>>, %arg5: memref<4x1664xi32, #tpu.memory_space<vmem>>, %arg6: memref<1664x16xf32, #tpu.memory_space<vmem>>, %arg7: memref<1664x16xf32, #tpu.memory_space<vmem>>, %arg8: memref<!tpu.dma_semaphore, #tpu.memory_space<semaphore_mem>>, %arg9: memref<!tpu.dma_semaphore, #tpu.memory_space<semaphore_mem>>, %arg10: memref<!tpu.dma_semaphore, #tpu.memory_space<semaphore_mem>>, %arg11: memref<!tpu.dma_semaphore, #tpu.memory_space<semaphore_mem>>) attributes {dimension_semantics = [#tpu.dimension_semantics<core_parallel>, #tpu.dimension_semantics<subcore_parallel>], iteration_bounds = array<i64: 2, 16>, scalar_prefetch = 0 : i64, scratch_operands = 7 : i64, tpu.core_type = #tpu.core_type<sc_vector_subcore>, window_params = [{transform_indices = #map}, {transform_indices = #map1}, {transform_indices = #map1}]} {
    %mul3A = arith.constant 2 : i32
    %mul3A_0 = arith.muli %arg1, %mul3A : i32
    %add3A = arith.addi %mul3A_0, %arg0 : i32
    "tpu.region"() ({
      %run_scoped3A = tpu.sem_alloc : memref<!tpu.dma_semaphore, #tpu.memory_space<semaphore_mem>>
      %dma_start3A_97 = arith.constant 0 : i32
      %dma_start3A_98 = arith.constant 0 : i32
      %dma_start3A_99 = tpu.memref_slice %arg2[%add3A, %dma_start3A_97, %dma_start3A_98] : memref<32x4x1664xi32, #tpu.memory_space<hbm>> -> memref<1x4x1664xi32, #tpu.memory_space<hbm>>
      %dma_start3A_100 = tpu.memref_squeeze %dma_start3A_99 : memref<1x4x1664xi32, #tpu.memory_space<hbm>> -> memref<4x1664xi32, #tpu.memory_space<hbm>>
      %dma_start3A_101 = arith.constant 0 : i32
      %dma_start3A_102 = arith.constant 0 : i32
      %dma_start3A_103 = tpu.memref_slice %arg2[%add3A, %dma_start3A_101, %dma_start3A_102] : memref<32x4x1664xi32, #tpu.memory_space<hbm>> -> memref<1x4x1664xi32, #tpu.memory_space<hbm>>
      %dma_start3A_104 = tpu.memref_squeeze %dma_start3A_103 : memref<1x4x1664xi32, #tpu.memory_space<hbm>> -> memref<4x1664xi32, #tpu.memory_space<hbm>>
      tpu.enqueue_dma source(%dma_start3A_104 : memref<4x1664xi32, #tpu.memory_space<hbm>>) target(%arg5 : memref<4x1664xi32, #tpu.memory_space<vmem>>) target_semaphore(%run_scoped3A : memref<!tpu.dma_semaphore, #tpu.memory_space<semaphore_mem>>)
      %dma_wait3A_105 = arith.constant 0 : i32
      %dma_wait3A_106 = arith.constant 0 : i32
      %dma_wait3A_107 = tpu.memref_slice %arg2[%add3A, %dma_wait3A_105, %dma_wait3A_106] : memref<32x4x1664xi32, #tpu.memory_space<hbm>> -> memref<1x4x1664xi32, #tpu.memory_space<hbm>>
      %dma_wait3A_108 = tpu.memref_squeeze %dma_wait3A_107 : memref<1x4x1664xi32, #tpu.memory_space<hbm>> -> memref<4x1664xi32, #tpu.memory_space<hbm>>
      %dma_wait3A_109 = arith.constant 0 : i32
      %dma_wait3A_110 = arith.constant 0 : i32
      %dma_wait3A_111 = tpu.memref_slice %arg2[%add3A, %dma_wait3A_109, %dma_wait3A_110] : memref<32x4x1664xi32, #tpu.memory_space<hbm>> -> memref<1x4x1664xi32, #tpu.memory_space<hbm>>
      %dma_wait3A_112 = tpu.memref_squeeze %dma_wait3A_111 : memref<1x4x1664xi32, #tpu.memory_space<hbm>> -> memref<4x1664xi32, #tpu.memory_space<hbm>>
      tpu.wait_dma2 semaphore(%run_scoped3A : memref<!tpu.dma_semaphore, #tpu.memory_space<semaphore_mem>>) src(%dma_wait3A_112 : memref<4x1664xi32, #tpu.memory_space<hbm>>) dst(%arg5 : memref<4x1664xi32, #tpu.memory_space<vmem>>)
      tpu.yield
    }) : () -> ()
    %mul3A_1 = arith.constant 6656 : i32
    %mul3A_2 = arith.muli %add3A, %mul3A_1 : i32
    %dma_start3A = arith.constant 0 : i32
    %dma_start3A_3 = arith.constant 0 : i32
    %dma_start3A_4 = tpu.memref_slice %arg5[%dma_start3A, %dma_start3A_3] : memref<4x1664xi32, #tpu.memory_space<vmem>> -> memref<1x1664xi32, #tpu.memory_space<vmem>>
    %dma_start3A_5 = tpu.memref_squeeze %dma_start3A_4 : memref<1x1664xi32, #tpu.memory_space<vmem>> -> memref<1664xi32, #tpu.memory_space<vmem>>
    %dma_start3A_6 = arith.constant 0 : i32
    %dma_start3A_7 = arith.constant 0 : i32
    %dma_start3A_8 = tpu.memref_slice %arg3[%dma_start3A_6, %dma_start3A_7] : memref<1000000x16xf32, #tpu.memory_space<hbm>> -> memref<1000000x16xf32, #tpu.memory_space<hbm>>
    tpu.enqueue_indirect_dma source(%dma_start3A_8 : memref<1000000x16xf32, #tpu.memory_space<hbm>>) target(%arg6 : memref<1664x16xf32, #tpu.memory_space<vmem>>) offsets(%dma_start3A_5 : memref<1664xi32, #tpu.memory_space<vmem>>) semaphore(%arg8 : memref<!tpu.dma_semaphore, #tpu.memory_space<semaphore_mem>>)
    %dma_start3A_9 = arith.constant 1 : i32
    %dma_start3A_10 = arith.constant 0 : i32
    %dma_start3A_11 = tpu.memref_slice %arg5[%dma_start3A_9, %dma_start3A_10] : memref<4x1664xi32, #tpu.memory_space<vmem>> -> memref<1x1664xi32, #tpu.memory_space<vmem>>
    %dma_start3A_12 = tpu.memref_squeeze %dma_start3A_11 : memref<1x1664xi32, #tpu.memory_space<vmem>> -> memref<1664xi32, #tpu.memory_space<vmem>>
    %dma_start3A_13 = arith.constant 0 : i32
    %dma_start3A_14 = arith.constant 0 : i32
    %dma_start3A_15 = tpu.memref_slice %arg3[%dma_start3A_13, %dma_start3A_14] : memref<1000000x16xf32, #tpu.memory_space<hbm>> -> memref<1000000x16xf32, #tpu.memory_space<hbm>>
    tpu.enqueue_indirect_dma source(%dma_start3A_15 : memref<1000000x16xf32, #tpu.memory_space<hbm>>) target(%arg7 : memref<1664x16xf32, #tpu.memory_space<vmem>>) offsets(%dma_start3A_12 : memref<1664xi32, #tpu.memory_space<vmem>>) semaphore(%arg9 : memref<!tpu.dma_semaphore, #tpu.memory_space<semaphore_mem>>)
    %dma_wait3A = arith.constant 0 : i32
    %dma_wait3A_16 = arith.constant 0 : i32
    %dma_wait3A_17 = tpu.memref_slice %arg5[%dma_wait3A, %dma_wait3A_16] : memref<4x1664xi32, #tpu.memory_space<vmem>> -> memref<1x1664xi32, #tpu.memory_space<vmem>>
    %dma_wait3A_18 = tpu.memref_squeeze %dma_wait3A_17 : memref<1x1664xi32, #tpu.memory_space<vmem>> -> memref<1664xi32, #tpu.memory_space<vmem>>
    %dma_wait3A_19 = arith.constant 0 : i32
    %dma_wait3A_20 = arith.constant 0 : i32
    %dma_wait3A_21 = tpu.memref_slice %arg3[%dma_wait3A_19, %dma_wait3A_20] : memref<1000000x16xf32, #tpu.memory_space<hbm>> -> memref<1000000x16xf32, #tpu.memory_space<hbm>>
    tpu.wait_indirect_dma semaphore(%arg8 : memref<!tpu.dma_semaphore, #tpu.memory_space<semaphore_mem>>) src(%dma_wait3A_21 : memref<1000000x16xf32, #tpu.memory_space<hbm>>) dst(%arg6 : memref<1664x16xf32, #tpu.memory_space<vmem>>)
    %add3A_22 = arith.constant 0 : i32
    %add3A_23 = arith.addi %mul3A_2, %add3A_22 : i32
    %dma_start3A_24 = arith.constant 0 : i32
    %dma_start3A_25 = tpu.memref_slice %arg4[%add3A_23, %dma_start3A_24] : memref<212992x16xf32, #tpu.memory_space<hbm>> -> memref<1664x16xf32, #tpu.memory_space<hbm>>
    %dma_start3A_26 = arith.constant 0 : i32
    %dma_start3A_27 = tpu.memref_slice %arg4[%add3A_23, %dma_start3A_26] : memref<212992x16xf32, #tpu.memory_space<hbm>> -> memref<1664x16xf32, #tpu.memory_space<hbm>>
    tpu.enqueue_dma source(%arg6 : memref<1664x16xf32, #tpu.memory_space<vmem>>) target(%dma_start3A_27 : memref<1664x16xf32, #tpu.memory_space<hbm>>) target_semaphore(%arg10 : memref<!tpu.dma_semaphore, #tpu.memory_space<semaphore_mem>>)
    %dma_wait3A_28 = arith.constant 0 : i32
    %dma_wait3A_29 = tpu.memref_slice %arg4[%add3A_23, %dma_wait3A_28] : memref<212992x16xf32, #tpu.memory_space<hbm>> -> memref<1664x16xf32, #tpu.memory_space<hbm>>
    %dma_wait3A_30 = arith.constant 0 : i32
    %dma_wait3A_31 = tpu.memref_slice %arg4[%add3A_23, %dma_wait3A_30] : memref<212992x16xf32, #tpu.memory_space<hbm>> -> memref<1664x16xf32, #tpu.memory_space<hbm>>
    tpu.wait_dma2 semaphore(%arg10 : memref<!tpu.dma_semaphore, #tpu.memory_space<semaphore_mem>>) src(%arg6 : memref<1664x16xf32, #tpu.memory_space<vmem>>) dst(%dma_wait3A_31 : memref<1664x16xf32, #tpu.memory_space<hbm>>)
    %dma_start3A_32 = arith.constant 2 : i32
    %dma_start3A_33 = arith.constant 0 : i32
    %dma_start3A_34 = tpu.memref_slice %arg5[%dma_start3A_32, %dma_start3A_33] : memref<4x1664xi32, #tpu.memory_space<vmem>> -> memref<1x1664xi32, #tpu.memory_space<vmem>>
    %dma_start3A_35 = tpu.memref_squeeze %dma_start3A_34 : memref<1x1664xi32, #tpu.memory_space<vmem>> -> memref<1664xi32, #tpu.memory_space<vmem>>
    %dma_start3A_36 = arith.constant 0 : i32
    %dma_start3A_37 = arith.constant 0 : i32
    %dma_start3A_38 = tpu.memref_slice %arg3[%dma_start3A_36, %dma_start3A_37] : memref<1000000x16xf32, #tpu.memory_space<hbm>> -> memref<1000000x16xf32, #tpu.memory_space<hbm>>
    tpu.enqueue_indirect_dma source(%dma_start3A_38 : memref<1000000x16xf32, #tpu.memory_space<hbm>>) target(%arg6 : memref<1664x16xf32, #tpu.memory_space<vmem>>) offsets(%dma_start3A_35 : memref<1664xi32, #tpu.memory_space<vmem>>) semaphore(%arg8 : memref<!tpu.dma_semaphore, #tpu.memory_space<semaphore_mem>>)
    %dma_wait3A_39 = arith.constant 1 : i32
    %dma_wait3A_40 = arith.constant 0 : i32
    %dma_wait3A_41 = tpu.memref_slice %arg5[%dma_wait3A_39, %dma_wait3A_40] : memref<4x1664xi32, #tpu.memory_space<vmem>> -> memref<1x1664xi32, #tpu.memory_space<vmem>>
    %dma_wait3A_42 = tpu.memref_squeeze %dma_wait3A_41 : memref<1x1664xi32, #tpu.memory_space<vmem>> -> memref<1664xi32, #tpu.memory_space<vmem>>
    %dma_wait3A_43 = arith.constant 0 : i32
    %dma_wait3A_44 = arith.constant 0 : i32
    %dma_wait3A_45 = tpu.memref_slice %arg3[%dma_wait3A_43, %dma_wait3A_44] : memref<1000000x16xf32, #tpu.memory_space<hbm>> -> memref<1000000x16xf32, #tpu.memory_space<hbm>>
    tpu.wait_indirect_dma semaphore(%arg9 : memref<!tpu.dma_semaphore, #tpu.memory_space<semaphore_mem>>) src(%dma_wait3A_45 : memref<1000000x16xf32, #tpu.memory_space<hbm>>) dst(%arg7 : memref<1664x16xf32, #tpu.memory_space<vmem>>)
    %add3A_46 = arith.constant 1664 : i32
    %add3A_47 = arith.addi %mul3A_2, %add3A_46 : i32
    %dma_start3A_48 = arith.constant 0 : i32
    %dma_start3A_49 = tpu.memref_slice %arg4[%add3A_47, %dma_start3A_48] : memref<212992x16xf32, #tpu.memory_space<hbm>> -> memref<1664x16xf32, #tpu.memory_space<hbm>>
    %dma_start3A_50 = arith.constant 0 : i32
    %dma_start3A_51 = tpu.memref_slice %arg4[%add3A_47, %dma_start3A_50] : memref<212992x16xf32, #tpu.memory_space<hbm>> -> memref<1664x16xf32, #tpu.memory_space<hbm>>
    tpu.enqueue_dma source(%arg7 : memref<1664x16xf32, #tpu.memory_space<vmem>>) target(%dma_start3A_51 : memref<1664x16xf32, #tpu.memory_space<hbm>>) target_semaphore(%arg11 : memref<!tpu.dma_semaphore, #tpu.memory_space<semaphore_mem>>)
    %dma_wait3A_52 = arith.constant 0 : i32
    %dma_wait3A_53 = tpu.memref_slice %arg4[%add3A_47, %dma_wait3A_52] : memref<212992x16xf32, #tpu.memory_space<hbm>> -> memref<1664x16xf32, #tpu.memory_space<hbm>>
    %dma_wait3A_54 = arith.constant 0 : i32
    %dma_wait3A_55 = tpu.memref_slice %arg4[%add3A_47, %dma_wait3A_54] : memref<212992x16xf32, #tpu.memory_space<hbm>> -> memref<1664x16xf32, #tpu.memory_space<hbm>>
    tpu.wait_dma2 semaphore(%arg11 : memref<!tpu.dma_semaphore, #tpu.memory_space<semaphore_mem>>) src(%arg7 : memref<1664x16xf32, #tpu.memory_space<vmem>>) dst(%dma_wait3A_55 : memref<1664x16xf32, #tpu.memory_space<hbm>>)
    %dma_start3A_56 = arith.constant 3 : i32
    %dma_start3A_57 = arith.constant 0 : i32
    %dma_start3A_58 = tpu.memref_slice %arg5[%dma_start3A_56, %dma_start3A_57] : memref<4x1664xi32, #tpu.memory_space<vmem>> -> memref<1x1664xi32, #tpu.memory_space<vmem>>
    %dma_start3A_59 = tpu.memref_squeeze %dma_start3A_58 : memref<1x1664xi32, #tpu.memory_space<vmem>> -> memref<1664xi32, #tpu.memory_space<vmem>>
    %dma_start3A_60 = arith.constant 0 : i32
    %dma_start3A_61 = arith.constant 0 : i32
    %dma_start3A_62 = tpu.memref_slice %arg3[%dma_start3A_60, %dma_start3A_61] : memref<1000000x16xf32, #tpu.memory_space<hbm>> -> memref<1000000x16xf32, #tpu.memory_space<hbm>>
    tpu.enqueue_indirect_dma source(%dma_start3A_62 : memref<1000000x16xf32, #tpu.memory_space<hbm>>) target(%arg7 : memref<1664x16xf32, #tpu.memory_space<vmem>>) offsets(%dma_start3A_59 : memref<1664xi32, #tpu.memory_space<vmem>>) semaphore(%arg9 : memref<!tpu.dma_semaphore, #tpu.memory_space<semaphore_mem>>)
    %dma_wait3A_63 = arith.constant 2 : i32
    %dma_wait3A_64 = arith.constant 0 : i32
    %dma_wait3A_65 = tpu.memref_slice %arg5[%dma_wait3A_63, %dma_wait3A_64] : memref<4x1664xi32, #tpu.memory_space<vmem>> -> memref<1x1664xi32, #tpu.memory_space<vmem>>
    %dma_wait3A_66 = tpu.memref_squeeze %dma_wait3A_65 : memref<1x1664xi32, #tpu.memory_space<vmem>> -> memref<1664xi32, #tpu.memory_space<vmem>>
    %dma_wait3A_67 = arith.constant 0 : i32
    %dma_wait3A_68 = arith.constant 0 : i32
    %dma_wait3A_69 = tpu.memref_slice %arg3[%dma_wait3A_67, %dma_wait3A_68] : memref<1000000x16xf32, #tpu.memory_space<hbm>> -> memref<1000000x16xf32, #tpu.memory_space<hbm>>
    tpu.wait_indirect_dma semaphore(%arg8 : memref<!tpu.dma_semaphore, #tpu.memory_space<semaphore_mem>>) src(%dma_wait3A_69 : memref<1000000x16xf32, #tpu.memory_space<hbm>>) dst(%arg6 : memref<1664x16xf32, #tpu.memory_space<vmem>>)
    %add3A_70 = arith.constant 3328 : i32
    %add3A_71 = arith.addi %mul3A_2, %add3A_70 : i32
    %dma_start3A_72 = arith.constant 0 : i32
    %dma_start3A_73 = tpu.memref_slice %arg4[%add3A_71, %dma_start3A_72] : memref<212992x16xf32, #tpu.memory_space<hbm>> -> memref<1664x16xf32, #tpu.memory_space<hbm>>
    %dma_start3A_74 = arith.constant 0 : i32
    %dma_start3A_75 = tpu.memref_slice %arg4[%add3A_71, %dma_start3A_74] : memref<212992x16xf32, #tpu.memory_space<hbm>> -> memref<1664x16xf32, #tpu.memory_space<hbm>>
    tpu.enqueue_dma source(%arg6 : memref<1664x16xf32, #tpu.memory_space<vmem>>) target(%dma_start3A_75 : memref<1664x16xf32, #tpu.memory_space<hbm>>) target_semaphore(%arg10 : memref<!tpu.dma_semaphore, #tpu.memory_space<semaphore_mem>>)
    %dma_wait3A_76 = arith.constant 0 : i32
    %dma_wait3A_77 = tpu.memref_slice %arg4[%add3A_71, %dma_wait3A_76] : memref<212992x16xf32, #tpu.memory_space<hbm>> -> memref<1664x16xf32, #tpu.memory_space<hbm>>
    %dma_wait3A_78 = arith.constant 0 : i32
    %dma_wait3A_79 = tpu.memref_slice %arg4[%add3A_71, %dma_wait3A_78] : memref<212992x16xf32, #tpu.memory_space<hbm>> -> memref<1664x16xf32, #tpu.memory_space<hbm>>
    tpu.wait_dma2 semaphore(%arg10 : memref<!tpu.dma_semaphore, #tpu.memory_space<semaphore_mem>>) src(%arg6 : memref<1664x16xf32, #tpu.memory_space<vmem>>) dst(%dma_wait3A_79 : memref<1664x16xf32, #tpu.memory_space<hbm>>)
    %dma_wait3A_80 = arith.constant 3 : i32
    %dma_wait3A_81 = arith.constant 0 : i32
    %dma_wait3A_82 = tpu.memref_slice %arg5[%dma_wait3A_80, %dma_wait3A_81] : memref<4x1664xi32, #tpu.memory_space<vmem>> -> memref<1x1664xi32, #tpu.memory_space<vmem>>
    %dma_wait3A_83 = tpu.memref_squeeze %dma_wait3A_82 : memref<1x1664xi32, #tpu.memory_space<vmem>> -> memref<1664xi32, #tpu.memory_space<vmem>>
    %dma_wait3A_84 = arith.constant 0 : i32
    %dma_wait3A_85 = arith.constant 0 : i32
    %dma_wait3A_86 = tpu.memref_slice %arg3[%dma_wait3A_84, %dma_wait3A_85] : memref<1000000x16xf32, #tpu.memory_space<hbm>> -> memref<1000000x16xf32, #tpu.memory_space<hbm>>
    tpu.wait_indirect_dma semaphore(%arg9 : memref<!tpu.dma_semaphore, #tpu.memory_space<semaphore_mem>>) src(%dma_wait3A_86 : memref<1000000x16xf32, #tpu.memory_space<hbm>>) dst(%arg7 : memref<1664x16xf32, #tpu.memory_space<vmem>>)
    %add3A_87 = arith.constant 4992 : i32
    %add3A_88 = arith.addi %mul3A_2, %add3A_87 : i32
    %dma_start3A_89 = arith.constant 0 : i32
    %dma_start3A_90 = tpu.memref_slice %arg4[%add3A_88, %dma_start3A_89] : memref<212992x16xf32, #tpu.memory_space<hbm>> -> memref<1664x16xf32, #tpu.memory_space<hbm>>
    %dma_start3A_91 = arith.constant 0 : i32
    %dma_start3A_92 = tpu.memref_slice %arg4[%add3A_88, %dma_start3A_91] : memref<212992x16xf32, #tpu.memory_space<hbm>> -> memref<1664x16xf32, #tpu.memory_space<hbm>>
    tpu.enqueue_dma source(%arg7 : memref<1664x16xf32, #tpu.memory_space<vmem>>) target(%dma_start3A_92 : memref<1664x16xf32, #tpu.memory_space<hbm>>) target_semaphore(%arg11 : memref<!tpu.dma_semaphore, #tpu.memory_space<semaphore_mem>>)
    %dma_wait3A_93 = arith.constant 0 : i32
    %dma_wait3A_94 = tpu.memref_slice %arg4[%add3A_88, %dma_wait3A_93] : memref<212992x16xf32, #tpu.memory_space<hbm>> -> memref<1664x16xf32, #tpu.memory_space<hbm>>
    %dma_wait3A_95 = arith.constant 0 : i32
    %dma_wait3A_96 = tpu.memref_slice %arg4[%add3A_88, %dma_wait3A_95] : memref<212992x16xf32, #tpu.memory_space<hbm>> -> memref<1664x16xf32, #tpu.memory_space<hbm>>
    tpu.wait_dma2 semaphore(%arg11 : memref<!tpu.dma_semaphore, #tpu.memory_space<semaphore_mem>>) src(%arg7 : memref<1664x16xf32, #tpu.memory_space<vmem>>) dst(%dma_wait3A_96 : memref<1664x16xf32, #tpu.memory_space<hbm>>)
    return
  }
}

module attributes {stable_mosaic.version = 14 : i64} {
  func.func @_mlp_body(%arg0: i32, %arg1: memref<6656x128xf32, #tpu.memory_space<vmem>>, %arg2: memref<1664x256xf32, #tpu.memory_space<vmem>>, %arg3: memref<1x256xf32, #tpu.memory_space<vmem>>, %arg4: memref<256x64xf32, #tpu.memory_space<vmem>>, %arg5: memref<1x64xf32, #tpu.memory_space<vmem>>, %arg6: memref<64x4xf32, #tpu.memory_space<vmem>>, %arg7: memref<512x4xf32, #tpu.memory_space<vmem>>) attributes {dimension_semantics = [#tpu.dimension_semantics<arbitrary>], iteration_bounds = array<i64: 4>, scalar_prefetch = 0 : i64, scratch_operands = 0 : i64, tpu.core_type = #tpu.core_type<tc>, window_params = [{transform_indices = @transform_0, window_bounds = array<i64: 6656, 128>}, {pipeline_mode = #tpu.pipeline_mode<synchronous>, transform_indices = @transform_1, window_bounds = array<i64: 1664, 256>}, {pipeline_mode = #tpu.pipeline_mode<synchronous>, transform_indices = @transform_2, window_bounds = array<i64: 1, 256>}, {pipeline_mode = #tpu.pipeline_mode<synchronous>, transform_indices = @transform_3, window_bounds = array<i64: 256, 64>}, {pipeline_mode = #tpu.pipeline_mode<synchronous>, transform_indices = @transform_4, window_bounds = array<i64: 1, 64>}, {pipeline_mode = #tpu.pipeline_mode<synchronous>, transform_indices = @transform_5, window_bounds = array<i64: 64, 4>}, {transform_indices = @transform_6, window_bounds = array<i64: 512, 4>}]} {
    %get3A = arith.constant 0 : index
    %get3A_0 = arith.constant 0 : index
    %get3A_1 = vector.load %arg1[%get3A, %get3A_0] : memref<6656x128xf32, #tpu.memory_space<vmem>>, vector<6656x128xf32>
    %reshape3A = vector.shape_cast %get3A_1 : vector<6656x128xf32> to vector<512x1664xf32>
    %get3A_2 = arith.constant 0 : index
    %get3A_3 = arith.constant 0 : index
    %get3A_4 = vector.load %arg2[%get3A_2, %get3A_3] : memref<1664x256xf32, #tpu.memory_space<vmem>>, vector<1664x256xf32>
    %dot_general3A = arith.constant dense<0.000000e+00> : vector<512x256xf32>
    %dot_general3A_5 = tpu.matmul %reshape3A, %get3A_4, %dot_general3A {dimension_numbers = #tpu.dot_dimension_numbers<[1], [0], [0], [1], [0, 0, 1, 1], [], []>, transpose_lhs_hint = false} : vector<512x1664xf32>, vector<1664x256xf32>, vector<512x256xf32> -> vector<512x256xf32>
    %get3A_6 = arith.constant 0 : index
    %get3A_7 = arith.constant 0 : index
    %get3A_8 = vector.load %arg3[%get3A_6, %get3A_7] : memref<1x256xf32, #tpu.memory_space<vmem>>, vector<1x256xf32>
    %add3A = vector.broadcast %get3A_8 : vector<1x256xf32> to vector<512x256xf32>
    %add3A_9 = arith.addf %dot_general3A_5, %add3A : vector<512x256xf32>
    %max3A = arith.constant 0.000000e+00 : f32
    %max3A_10 = vector.broadcast %max3A : f32 to vector<512x256xf32>
    %max3A_11 = arith.maximumf %add3A_9, %max3A_10 : vector<512x256xf32>
    %get3A_12 = arith.constant 0 : index
    %get3A_13 = arith.constant 0 : index
    %get3A_14 = vector.load %arg4[%get3A_12, %get3A_13] : memref<256x64xf32, #tpu.memory_space<vmem>>, vector<256x64xf32>
    %dot_general3A_15 = arith.constant dense<0.000000e+00> : vector<512x64xf32>
    %dot_general3A_16 = tpu.matmul %max3A_11, %get3A_14, %dot_general3A_15 {dimension_numbers = #tpu.dot_dimension_numbers<[1], [0], [0], [1], [0, 0, 1, 1], [], []>, transpose_lhs_hint = false} : vector<512x256xf32>, vector<256x64xf32>, vector<512x64xf32> -> vector<512x64xf32>
    %get3A_17 = arith.constant 0 : index
    %get3A_18 = arith.constant 0 : index
    %get3A_19 = vector.load %arg5[%get3A_17, %get3A_18] : memref<1x64xf32, #tpu.memory_space<vmem>>, vector<1x64xf32>
    %add3A_20 = vector.broadcast %get3A_19 : vector<1x64xf32> to vector<512x64xf32>
    %add3A_21 = arith.addf %dot_general3A_16, %add3A_20 : vector<512x64xf32>
    %max3A_22 = arith.constant 0.000000e+00 : f32
    %max3A_23 = vector.broadcast %max3A_22 : f32 to vector<512x64xf32>
    %max3A_24 = arith.maximumf %add3A_21, %max3A_23 : vector<512x64xf32>
    %get3A_25 = arith.constant 0 : index
    %get3A_26 = arith.constant 0 : index
    %get3A_27 = vector.load %arg6[%get3A_25, %get3A_26] : memref<64x4xf32, #tpu.memory_space<vmem>>, vector<64x4xf32>
    %dot_general3A_28 = arith.constant dense<0.000000e+00> : vector<512x4xf32>
    %dot_general3A_29 = tpu.matmul %max3A_24, %get3A_27, %dot_general3A_28 {dimension_numbers = #tpu.dot_dimension_numbers<[1], [0], [0], [1], [0, 0, 1, 1], [], []>, transpose_lhs_hint = false} : vector<512x64xf32>, vector<64x4xf32>, vector<512x4xf32> -> vector<512x4xf32>
    %neg3A = arith.constant 0.000000e+00 : f32
    %neg3A_30 = vector.broadcast %neg3A : f32 to vector<512x4xf32>
    %neg3A_31 = arith.subf %neg3A_30, %dot_general3A_29 : vector<512x4xf32>
    %exp3A = math.exp %neg3A_31 : vector<512x4xf32>
    %add3A_32 = arith.constant 1.000000e+00 : f32
    %add3A_33 = vector.broadcast %add3A_32 : f32 to vector<512x4xf32>
    %add3A_34 = arith.addf %add3A_33, %exp3A : vector<512x4xf32>
    %div3A = arith.constant 1.000000e+00 : f32
    %div3A_35 = vector.broadcast %div3A : f32 to vector<512x4xf32>
    %div3A_36 = arith.divf %div3A_35, %add3A_34 : vector<512x4xf32>
    %swap3A = arith.constant 0 : index
    %swap3A_37 = arith.constant 0 : index
    %swap3A_38 = vector.load %arg7[%swap3A, %swap3A_37] : memref<512x4xf32, #tpu.memory_space<vmem>>, vector<512x4xf32>
    tpu.vector_store %arg7[%swap3A, %swap3A_37], %div3A_36 {strides = array<i32>} : memref<512x4xf32, #tpu.memory_space<vmem>>, vector<512x4xf32>,
    return
  }
  func.func @transform_0(%arg0: i32) -> (i32, i32) {
    %c0_i32 = arith.constant 0 : i32
    %c0_i32_0 = arith.constant 0 : i32
    return %arg0, %c0_i32 : i32, i32
  }
  func.func @transform_1(%arg0: i32) -> (i32, i32) {
    %c0_i32 = arith.constant 0 : i32
    %c0_i32_0 = arith.constant 0 : i32
    %c0_i32_1 = arith.constant 0 : i32
    return %c0_i32, %c0_i32_0 : i32, i32
  }
  func.func @transform_2(%arg0: i32) -> (i32, i32) {
    %c0_i32 = arith.constant 0 : i32
    %c0_i32_0 = arith.constant 0 : i32
    %c0_i32_1 = arith.constant 0 : i32
    return %c0_i32, %c0_i32_0 : i32, i32
  }
  func.func @transform_3(%arg0: i32) -> (i32, i32) {
    %c0_i32 = arith.constant 0 : i32
    %c0_i32_0 = arith.constant 0 : i32
    %c0_i32_1 = arith.constant 0 : i32
    return %c0_i32, %c0_i32_0 : i32, i32
  }
  func.func @transform_4(%arg0: i32) -> (i32, i32) {
    %c0_i32 = arith.constant 0 : i32
    %c0_i32_0 = arith.constant 0 : i32
    %c0_i32_1 = arith.constant 0 : i32
    return %c0_i32, %c0_i32_0 : i32, i32
  }
  func.func @transform_5(%arg0: i32) -> (i32, i32) {
    %c0_i32 = arith.constant 0 : i32
    %c0_i32_0 = arith.constant 0 : i32
    %c0_i32_1 = arith.constant 0 : i32
    return %c0_i32, %c0_i32_0 : i32, i32
  }
  func.func @transform_6(%arg0: i32) -> (i32, i32) {
    %c0_i32 = arith.constant 0 : i32
    %c0_i32_0 = arith.constant 0 : i32
    return %arg0, %c0_i32 : i32, i32
  }
}

</mosaic_0001>

<sc_bundles>
// kernel: kernel.6.cloned.1.call-start
scs
__scs_entry_jumppad:
0x0: {  	(pc) =	sbr.rel $0x88, $3  }
0x1: {  	(tag) =	ssettag $0x0;
	lr =	simm.s32 $0x1  }
0x2: {  	[smem:$0x3F9A] =	sst lr;
	_ =	strace $0xD0000000  }
0x3: {  	_ = 	snop  }
0x4: {  	_ = 	snop  }
0x5: {  	_ = 	snop  }
0x6: {  	_ = 	snop  }
0x7: {  	_ = 	snop  }
__scs_overlays_trampoline_lowered:
0x8: {  	[smem:$0x3FA9] =	sst s0  }
0x9: {  	[smem:$0x3FAA] =	sst s1  }
0xa: {  	[smem:$0x3FAB] =	sst s2  }
0xb: {  	[smem:$0x3FAC] =	sst s3  }
0xc: {  	[smem:$0x3FAD] =	sst s4  }
0xd: {  	[smem:$0x3FAE] =	sst s5  }
0xe: {  	[smem:$0x3FAF] =	sst s6  }
0xf: {  	[smem:$0x3FB0] =	sst s7  }
0x10: {  	[smem:$0x3FB1] =	sst s8  }
0x11: {  	[smem:$0x3FB2] =	sst s9;
	s0 =	simm.s32 @!p0 $0x0  }
0x12: {  	s1 =	sld [smem:$0x3F98];
	s0 =	simm.s32 @p0 $0x1  }
0x13: {  	[smem:$0x3FB3] =	sst s0;
	s0 =	simm.s32 @!p1 $0x0  }
0x14: {  	s2 =	sld [smem:$0x3F97];
	s0 =	simm.s32 @p1 $0x1  }
0x15: {  	[smem:$0x3FB4] =	sst s0;
	s0 =	simm.s32 @!p2 $0x0  }
0x16: {  	s3 =	sld [smem:$0x3FDB];
	s0 =	simm.s32 @p2 $0x1  }
0x17: {  	s4 =	simm.s32 $0x1BF5;
	[smem:$0x3FB6] =	sst s0  }
0x18: {  	s0 =	sld [smem:$0x3F99];
	_ =	swait.ge [sflag:s4], $0x0  }
0x19: {  	s7 =	sld [smem:$0x3F9A]  }
0x1a: {  	s8 =	sadd.s32 $0xFFFFE003, lr  }
0x1b: {  	s9 =	sadd.s32 $0xFFFFFEF7, lr;
	s5 =	simm.s32 $0xFFFFFFFF;
	p2 =	slt.u32 s8, $0xFFFFF086  }
0x1c: {  	p1 =	slt.u32 s9, $0xF7A;
	s5 =	simm.s32 @!p2 $0x0  }
0x1d: {  	s5 =	simm.s32 @p1 $0x1;
	p0 =	seq.s32 s7, s2  }
0x1e: {  	s7 =	smul.u32 @!p0 $0xF7A, s2;
	p2 =	seq.s32 @!p0 s5, $0x0  }
0x1f: {  	s9 =	smul.u32 $0xF7A, s1;
	s8 =	simm.s32 @!p0 $0x1BF5;
	p2 =	por !p2, p0  }
0x20: {  	[sflag:s8] =	ssyncset.s32 @!p0 $0xFFFFF086;
	s6 =	sadd.s32 @!p0 s3, s7;
	s7 =	simm.s32 @!p0 $0x108  }
0x21: {  	s3 =	sadd.s32 s3, s9;
	s6 =	sadd.s32 @!p0 $0x88, s6;
	s7 =	simm.s32 @p2 $0x1082  }
0x22: {  	[simem:s7], [sflag:s8] =	dma.local @!p0 [hbm:s6], $0xF7A  }
0x23: {  	s9 =	sor.u32 $0xD0000000, s2;
	s6 =	simm.s32 $0x108;
	_ =	swait.ge @!p0 [sflag:s8], $0x0  }
0x24: {  	s3 =	sadd.s32 $0x88, s3;
	s6 =	simm.s32 @!p1 $0x1082;
	[sflag:s4] =	ssyncset.s32 $0xFFFFF086  }
0x25: {  	[simem:s6], [sflag:s4] =	dma.local [hbm:s3], $0xF7A  }
0x26: {  	[smem:$0x3F9A] =	sst s1;
	(tag) =	ssettag s2;
	_ =	strace s9  }
0x27: {  	s1 =	sld [smem:$0x3FAA]  }
0x28: {  	s2 =	sld [smem:$0x3FAB]  }
0x29: {  	s4 =	sld [smem:$0x3FAD]  }
0x2a: {  	p0 =	seq.s32 s5, $0x0;
	s5 =	sld [smem:$0x3FAE]  }
0x2b: {  	s6 =	sld [smem:$0x3FAF]  }
0x2c: {  	s7 =	sld [smem:$0x3FB0]  }
0x2d: {  	s3 =	simm.s32 $0x108;
	s8 =	sld [smem:$0x3FB1]  }
0x2e: {  	s3 =	simm.s32 @!p0 $0x1082;
	s9 =	sld [smem:$0x3FB2]  }
0x2f: {  	lr =	sadd.s32 s0, s3;
	s0 =	sld [smem:$0x3FA9]  }
0x30: {  	s3 =	sld [smem:$0x3FAC]  }
0x31: {  	[smem:$0x3FB5] =	sst s10  }
0x32: {  	s10 =	sld [smem:$0x3FB3];
	_ =	sdelay $0x3  }
0x33: {  	p0 =	seq.s32 s10, $0x1;
	s10 =	sld [smem:$0x3FB5];
	_ =	sdelay $0x3  }
0x34: {  	[smem:$0x3FB5] =	sst s10  }
0x35: {  	s10 =	sld [smem:$0x3FB4];
	_ =	sdelay $0x3  }
0x36: {  	p1 =	seq.s32 s10, $0x1;
	s10 =	sld [smem:$0x3FB5];
	_ =	sdelay $0x3  }
0x37: {  	[smem:$0x3FB5] =	sst s10  }
0x38: {  	s10 =	sld [smem:$0x3FB6]  }
0x39: {  	_ = 	snop;
	(pc) =	sbr.ind lr, $3  }
0x3a: {  	_ = 	snop  }
0x3b: {  	_ = 	snop  }
0x3c: {  	p2 =	seq.s32 s10, $0x1;
	s10 =	sld [smem:$0x3FB5]  }
0x3d: {  	_ =	shalt  }
0x3e: {  	_ =	shalt  }
0x3f: {  	_ =	shalt  }
0x40: {  	_ =	shalt  }
0x41: {  	_ =	shalt  }
0x42: {  	_ =	shalt  }
0x43: {  	_ =	shalt  }
0x44: {  	_ =	shalt  }
0x45: {  	_ =	shalt  }
0x46: {  	_ =	shalt  }
0x47: {  	_ =	shalt  }
0x48: {  	_ =	shalt  }
0x49: {  	_ =	shalt  }
0x4a: {  	_ =	shalt  }
0x4b: {  	_ =	shalt  }
0x4c: {  	_ =	shalt  }
0x4d: {  	_ =	shalt  }
0x4e: {  	_ =	shalt  }
0x4f: {  	_ =	shalt  }
0x50: {  	_ =	shalt  }
0x51: {  	_ =	shalt  }
0x52: {  	_ =	shalt  }
0x53: {  	_ =	shalt  }
0x54: {  	_ =	shalt  }
0x55: {  	_ =	shalt  }
0x56: {  	_ =	shalt  }
0x57: {  	_ =	shalt  }
0x58: {  	_ =	shalt  }
0x59: {  	_ =	shalt  }
0x5a: {  	_ =	shalt  }
0x5b: {  	_ =	shalt  }
0x5c: {  	_ =	shalt  }
0x5d: {  	_ =	shalt  }
0x5e: {  	_ =	shalt  }
0x5f: {  	_ =	shalt  }
0x60: {  	_ =	shalt  }
0x61: {  	_ =	shalt  }
0x62: {  	_ =	shalt  }
0x63: {  	_ =	shalt  }
0x64: {  	_ =	shalt  }
0x65: {  	_ =	shalt  }
0x66: {  	_ =	shalt  }
0x67: {  	_ =	shalt  }
0x68: {  	_ =	shalt  }
0x69: {  	_ =	shalt  }
0x6a: {  	_ =	shalt  }
0x6b: {  	_ =	shalt  }
0x6c: {  	_ =	shalt  }
0x6d: {  	_ =	shalt  }
0x6e: {  	_ =	shalt  }
0x6f: {  	_ =	shalt  }
0x70: {  	_ =	shalt  }
0x71: {  	_ =	shalt  }
0x72: {  	_ =	shalt  }
0x73: {  	_ =	shalt  }
0x74: {  	_ =	shalt  }
0x75: {  	_ =	shalt  }
0x76: {  	_ =	shalt  }
0x77: {  	_ =	shalt  }
0x78: {  	_ =	shalt  }
0x79: {  	_ =	shalt  }
0x7a: {  	_ =	shalt  }
0x7b: {  	_ =	shalt  }
0x7c: {  	_ =	shalt  }
0x7d: {  	_ =	shalt  }
0x7e: {  	_ =	shalt  }
0x7f: {  	_ =	shalt  }
0x80: {  	_ =	shalt  }
0x81: {  	_ =	shalt  }
0x82: {  	_ =	shalt  }
0x83: {  	_ =	shalt  }
0x84: {  	_ =	shalt  }
0x85: {  	_ =	shalt  }
0x86: {  	_ =	shalt  }
0x87: {  	_ =	shalt  }
.Lfunc_end0:
.L_simem_size_0:
called_computation_lowered:
.L_overlay_start_0:
0x88: {  	s2 =	sld [smem:$0x3FD9]  }
0x89: {  	s3 =	sld [smem:$0x3FFE];
	_ =	sdelay $0x1  }
0x8a: {  	s1 =	srdreg.scid  }
0x8b: {  	s0 =	sand.u32 $0x1, s1  }
0x8c: {  	s17 =	sshll.u32 s0, $0xA;
	s2 =	sadd.s32 s3, s2  }
0x8d: {  	s2 =	sadd.s32 s2, s17  }
0x8e: {  	[smem:$0x3FC1] =	sst s2  }
0x8f: {  	_ = 	snop  }
0x90: {  	(tm) =	ssettm $0x1  }
0x91: {  	s18 =	sld [smem:$0x3FFB];
	_ =	sdelay $0x3  }
0x92: {  	_ =	strace s18  }
0x93: {  	s2 =	sld [smem:$0x3FFC];
	_ =	sdelay $0x3  }
0x94: {  	_ =	strace s2  }
0x95: {  	s2 =	sld [smem:$0x3FFD];
	_ =	sdelay $0x3  }
0x96: {  	_ =	strace s2  }
0x97: {  	_ =	strace $0x8FFFFFFF  }
0x98: {  	s19 =	sld [smem:$0x3FDB];
	_ =	sdelay $0x1  }
0x99: {  	s20 =	simm.s32 $_scs_section_size  }
0x9a: {  	s4 =	simm.s32 $_size__tile_overlayer_lowered;
	s5 =	simm.s32 $_tile_overlayer_lowered  }
0x9b: {  	s6 =	simm.s32 $0x1BFF;
	s21 =	sshll.u32 s5, $0x1;
	s3 =	sadd.s32 s20, s19  }
0x9c: {  	s22 =	simm.s32 $0x0;
	s4 =	sshll.u32 s4, $0x1;
	s5 =	sadd.s32 s21, s3  }
0x9d: {  	[timem:s22], [sflag:s6] =	dma.local [hbm:s5], s4  }
0x9e: {  	_ =	swait.ge [sflag:s6], s4  }
0x9f: {  	s4 =	ssub.s32 $0x0, s4;
	[sflag:s6] =	ssyncset.done $0x0  }
0xa0: {  	[sflag:s6] =	ssyncadd.s32 s4;
	_ =	sdelay $0x1  }
0xa1: {  	s23 =	simm.s32 $0x1B8B  }
0xa2: {  	_ =	swait.ge [sflag:s23], $0x1  }
0xa3: {  	[sflag:s23] =	ssyncset.done $0x0  }
0xa4: {  	[sflag:s23] =	ssyncadd.s32 $0xFFFFFFFF  }
0xa5: {  	s4 =	sld [smem:$0x0]  }
0xa6: {  	s5 =	sand.u32 $0xFFFFFFFE, s1  }
0xa7: {  	p0 =	sne.s32 s1, s5  }
0xa8: {  	s5 =	sshll.u32 @p0 s5, $0xE  }
0xa9: {  	s5 =	sadd.s32 @p0 $0x11B8D, s5;
	s6 =	sshll.u32 @p0 s4, $0x11  }
0xaa: {  	s5 =	sor.u32 @p0 s6, s5  }
0xab: {  	[sflag:s5] =	ssyncadd.remote.s32 @p0 $0x1;
	_ =	sdelay $0x1  }
0xac: {  	s5 =	simm.s32 @p0 $0x1B8D  }
0xad: {  	_ =	swait.eq @p0 [sflag:s5], $0x1  }
0xae: {  	[sflag:s5] =	ssyncadd.s32 @p0 $0xFFFFFFFF  }
0xaf: {  	s6 =	sshll.u32 @!p0 s1, $0xE  }
0xb0: {  	s6 =	sor.u32 @!p0 $0x4000, s6;
	s5 =	simm.s32 @!p0 $0x1B8D  }
0xb1: {  	s4 =	sshll.u32 @!p0 s4, $0x11;
	s6 =	sadd.s32 @!p0 $0x11B8D, s6;
	_ =	swait.eq @!p0 [sflag:s5], $0x1  }
0xb2: {  	s4 =	sor.u32 @!p0 s4, s6;
	[sflag:s5] =	ssyncadd.s32 @!p0 $0xFFFFFFFF  }
0xb3: {  	s25 =	simm.s32 $0x1B8E;
	s24 =	sld [smem:$0x3FFE];
	[sflag:s4] =	ssyncadd.remote.s32 @!p0 $0x1  }
0xb4: {  	s26 =	simm.s32 $execute0_lowered;
	[smem:$0x3FD2] =	sst s25  }
0xb5: {  	s5 =	sshll.u32 s26, $0x1;
	_ =	strace $0x80000049;
	[dreg:$0x1] =	wrdreg $0xFFFFFFFF  }
0xb6: {  	s28 =	simm.s32 $_size_execute0_lowered;
	s3 =	sadd.s32 s3, s5;
	[dreg:$0x0] =	wrdreg $0x0  }
0xb7: {  	s5 =	sshll.u32 s28, $0x1;
	[dreg:$0x2] =	wrdreg s3  }
0xb8: {  	[dreg:$0x3] =	wrdreg s5  }
0xb9: {  	[dreg:$0x4] =	wrdreg $0xC0  }
0xba: {  	_ =	task [dreg:s22], $0x5FFFF  }
0xbb: {  	[dreg:$0x1] =	wrdreg $0xFFFFFFFF  }
0xbc: {  	[dreg:$0x0] =	wrdreg $0x60  }
0xbd: {  	[dreg:$0x2] =	wrdreg s24  }
0xbe: {  	[dreg:$0x3] =	wrdreg $0x9  }
0xbf: {  	_ =	task.clear_ibuf [dreg:s22], $0x4FFFF;
	_ =	strace $0x90000049  }
0xc0: {  	s29 =	simm.s32 $0x9;
	_ =	strace $0x8000004B  }
0xc1: {  	_ =	swait.ge [sflag:s29], $0x1  }
0xc2: {  	[sflag:s29] =	ssyncadd.s32 $0xFFFFFFFF  }
0xc3: {  	_ =	strace $0x9000004B  }
0xc4: {  	_ =	sfence  }
0xc5: {  	s30 =	sld [smem:$0x0];
	_ =	sdelay $0x2  }
0xc6: {  	s31 =	sshll.u32 s1, $0xD;
	s1 =	sshrl.u32 s1, $0x2  }
0xc7: {  	s4 =	sand.u32 $0x4000, s31;
	s1 =	sadd.s32 s1, s30  }
0xc8: {  	s0 =	sor.u32 s4, s0;
	s1 =	sshll.u32 s1, $0x11  }
0xc9: {  	s0 =	sor.u32 s1, s0  }
0xca: {  	s0 =	sadd.s32 $0x8F2B, s0  }
0xcb: {  	[sflag:s0] =	ssyncadd.remote.s32 $0x1  }
0xcc: {  	_ =	sfence.sel $0xFFFF  }
0xcd: {  	[dreg:$0x0] =	wrdreg $0xFFFFFFFF;
	(pc) =	sbr.abs _section_cstart, $3  }
0xce: {  	[dreg:$0x1] =	wrdreg $0xFFFFFFFF  }
0xcf: {  	_ =	task.clear_ibuf [dreg:s22], $0x2FFFF;
	_ =	strace $0x9FFFFFFF  }
0xd0: {  	(tm) =	ssettm $0x7FFFFFFF  }
0xd1: {  	_ =	shalt  }
tec
execute0_lowered:
.L_overlay_start_1:
0x0: {  	(tag) =	ssettag $0x1  }
0x1: {  	s1 =	srdreg.scid;
	s0 =	stileid.u32  }
0x2: {  	s18 =	sand.u32 $0x1, s1;
	s30 =	sshll.u32 s0, $0x1  }
0x3: {  	s12 =	sor.u32 s18, s30  }
0x4: {  	s3 =	smul.u32 $0x340, s12  }
0x5: {  	s10 =	rddreg [dreg:$0x0];
	s2 =	simm.s32 $0x0  }
0x6: {  	s4 =	simm.s32 $0x5;
	[smem:$0x7FF] =	sst s2;
	s3 =	sadd.s32 s3, s10  }
0x7: {  	s1 =	rddreg [dreg:$0x1];
	_ =	strace $0x8000004A;
	s3 =	sadd.s32 $0x70400, s3  }
0x8: {  	[tilespmem:s2], [sflag:$0x5] =	stream.linear.gather [hbm4b:s3+s2], $0x1A00, $0x38;
	[tilespmem:$0xEA00] =	vst v63  }
0x9: {  	_ =	swait.ge [sflag:s4], $0x1A00  }
0xa: {  	s6 =	simm.s32 $0x680;
	[sflag:s4] =	ssyncset.done $0x0  }
0xb: {  	s7 =	simm.s32 $0x1A00;
	s5 =	sadd.s32 $0xF44000, s10;
	[sflag:s4] =	ssyncadd.s32 $0xFFFFE600  }
0xc: {  	[tilespmem:s7], [sflag:$0x1] =	stream.indirect.gather [hbm4b:s5+s6], $0x10, s2, s6, $0xb8;
	[tilespmem:$0xEA00] =	vst v63  }
0xd: {  	s8 =	simm.s32 $0x8200;
	s9 =	simm.s32 $0x1  }
0xe: {  	[tilespmem:s8], [sflag:$0x2] =	stream.indirect.gather [hbm4b:s5+s6], $0x10, s6, s6, $0xb8;
	[tilespmem:$0xEA00] =	vst v63  }
0xf: {  	s11 =	smul.u32 $0x3400, s12;
	_ =	swait.ge [sflag:s9], $0x6800  }
0x10: {  	s14 =	sadd.s32 $0x76C00, s10;
	[sflag:s9] =	ssyncset.done $0x0  }
0x11: {  	s10 =	sadd.s32 s14, s11;
	s11 =	simm.s32 $0x3;
	[sflag:s9] =	ssyncadd.s32 $0xFFFF9800  }
0x12: {  	[hbm4b:s10+s2] =	stream.linear.scatter [tilespmem:s7], [sflag:$0x3], $0x6800, $0x38;
	[tilespmem:$0xEA00] =	vst v63  }
0x13: {  	_ =	swait.ge [sflag:s11], $0x6800  }
0x14: {  	s13 =	simm.s32 $0x2;
	[sflag:s11] =	ssyncset.done $0x0  }
0x15: {  	s15 =	smul.u32 $0x1A000, s12;
	s12 =	simm.s32 $0xD00;
	[sflag:s11] =	ssyncadd.s32 $0xFFFF9800  }
0x16: {  	[tilespmem:s7], [sflag:$0x1] =	stream.indirect.gather [hbm4b:s5+s6], $0x10, s12, s6, $0xb8;
	[tilespmem:$0xEA00] =	vst v63  }
0x17: {  	s15 =	sshrl.u32 s15, $0x3;
	_ =	swait.ge [sflag:s13], $0x6800  }
0x18: {  	s19 =	sadd.s32 s14, s15;
	[sflag:s13] =	ssyncset.done $0x0  }
0x19: {  	s14 =	simm.s32 $0x4;
	s15 =	sadd.s32 $0xD00, s19;
	[sflag:s13] =	ssyncadd.s32 $0xFFFF9800  }
0x1a: {  	[hbm4b:s15+s2] =	stream.linear.scatter [tilespmem:s8], [sflag:$0x4], $0x6800, $0x38;
	[tilespmem:$0xEA00] =	vst v63  }
0x1b: {  	_ =	swait.ge [sflag:s14], $0x6800  }
0x1c: {  	[sflag:s14] =	ssyncset.done $0x0  }
0x1d: {  	s16 =	simm.s32 $0x1380;
	[sflag:s14] =	ssyncadd.s32 $0xFFFF9800  }
0x1e: {  	[tilespmem:s8], [sflag:$0x2] =	stream.indirect.gather [hbm4b:s5+s6], $0x10, s16, s6, $0xb8;
	[tilespmem:$0xEA00] =	vst v63  }
0x1f: {  	_ =	swait.ge [sflag:s9], $0x6800  }
0x20: {  	[sflag:s9] =	ssyncset.done $0x0  }
0x21: {  	s18 =	ssub.s32 $0x2, s18;
	s17 =	sadd.s32 $0x1A00, s19;
	[sflag:s9] =	ssyncadd.s32 $0xFFFF9800  }
0x22: {  	[hbm4b:s17+s2] =	stream.linear.scatter [tilespmem:s7], [sflag:$0x3], $0x6800, $0x38;
	[tilespmem:$0xEA00] =	vst v63  }
0x23: {  	s20 =	sshrl.u32 s18, $0x1;
	_ =	swait.ge [sflag:s11], $0x6800  }
0x24: {  	s20 =	ssub.s32 s18, s20;
	[sflag:s11] =	ssyncset.done $0x0  }
0x25: {  	s31 =	smax.u32 s20, $0x1;
	[sflag:s11] =	ssyncadd.s32 $0xFFFF9800  }
0x26: {  	p0 =	sne.s32 s31, $0x1;
	_ =	swait.ge [sflag:s13], $0x6800  }
.Ltmp0:
0x27: {  	[sflag:s13] =	ssyncset.done $0x0;
	(pc) =	sbr.rel @!p0 .LBB2_2-.Ltmp0, $4  }
0x28: {  	s18 =	sadd.s32 $0x2700, s19;
	[sflag:s13] =	ssyncadd.s32 $0xFFFF9800  }
0x29: {  	[hbm4b:s18+s2] =	stream.linear.scatter [tilespmem:s8], [sflag:$0x4], $0x6800, $0x38;
	[tilespmem:$0xEA00] =	vst v63  }
0x2a: {  	_ =	swait.ge [sflag:s14], $0x6800  }
0x2b: {  	s19 =	sadd.s32 $0xFFFFFFFF, s31;
	[sflag:s14] =	ssyncset.done $0x0  }
.LBB2_1:
0x2c: {  	p0 =	sne.s32 s19, $0x1;
	s19 =	sadd.s32 $0xFFFFFFFF, s19;
	[sflag:s14] =	ssyncadd.s32 $0xFFFF9800  }
0x2d: {  	[tilespmem:s2], [sflag:$0x5] =	stream.linear.gather [hbm4b:s3+s2], $0x1A00, $0x38;
	[tilespmem:$0xEA00] =	vst v63  }
0x2e: {  	_ =	swait.ge [sflag:s4], $0x1A00  }
0x2f: {  	[sflag:s4] =	ssyncset.done $0x0  }
0x30: {  	[sflag:s4] =	ssyncadd.s32 $0xFFFFE600  }
0x31: {  	[tilespmem:s7], [sflag:$0x1] =	stream.indirect.gather [hbm4b:s5+s6], $0x10, s2, s6, $0xb8;
	[tilespmem:$0xEA00] =	vst v63  }
0x32: {  	_ = 	snop  }
0x33: {  	[tilespmem:s8], [sflag:$0x2] =	stream.indirect.gather [hbm4b:s5+s6], $0x10, s6, s6, $0xb8;
	[tilespmem:$0xEA00] =	vst v63  }
0x34: {  	_ =	swait.ge [sflag:s9], $0x6800  }
0x35: {  	[sflag:s9] =	ssyncset.done $0x0  }
0x36: {  	[sflag:s9] =	ssyncadd.s32 $0xFFFF9800  }
0x37: {  	[hbm4b:s10+s2] =	stream.linear.scatter [tilespmem:s7], [sflag:$0x3], $0x6800, $0x38;
	[tilespmem:$0xEA00] =	vst v63  }
0x38: {  	_ =	swait.ge [sflag:s11], $0x6800  }
0x39: {  	[sflag:s11] =	ssyncset.done $0x0  }
0x3a: {  	[sflag:s11] =	ssyncadd.s32 $0xFFFF9800  }
0x3b: {  	[tilespmem:s7], [sflag:$0x1] =	stream.indirect.gather [hbm4b:s5+s6], $0x10, s12, s6, $0xb8;
	[tilespmem:$0xEA00] =	vst v63  }
0x3c: {  	_ =	swait.ge [sflag:s13], $0x6800  }
0x3d: {  	[sflag:s13] =	ssyncset.done $0x0  }
0x3e: {  	[sflag:s13] =	ssyncadd.s32 $0xFFFF9800  }
0x3f: {  	[hbm4b:s15+s2] =	stream.linear.scatter [tilespmem:s8], [sflag:$0x4], $0x6800, $0x38;
	[tilespmem:$0xEA00] =	vst v63  }
0x40: {  	_ =	swait.ge [sflag:s14], $0x6800  }
0x41: {  	[sflag:s14] =	ssyncset.done $0x0  }
0x42: {  	[sflag:s14] =	ssyncadd.s32 $0xFFFF9800  }
0x43: {  	[tilespmem:s8], [sflag:$0x2] =	stream.indirect.gather [hbm4b:s5+s6], $0x10, s16, s6, $0xb8;
	[tilespmem:$0xEA00] =	vst v63  }
0x44: {  	_ =	swait.ge [sflag:s9], $0x6800  }
0x45: {  	[sflag:s9] =	ssyncset.done $0x0  }
0x46: {  	[sflag:s9] =	ssyncadd.s32 $0xFFFF9800  }
0x47: {  	[hbm4b:s17+s2] =	stream.linear.scatter [tilespmem:s7], [sflag:$0x3], $0x6800, $0x38;
	[tilespmem:$0xEA00] =	vst v63  }
0x48: {  	_ =	swait.ge [sflag:s11], $0x6800  }
0x49: {  	[sflag:s11] =	ssyncset.done $0x0  }
0x4a: {  	[sflag:s11] =	ssyncadd.s32 $0xFFFF9800  }
0x4b: {  	_ =	swait.ge [sflag:s13], $0x6800  }
.Ltmp1:
0x4c: {  	[sflag:s13] =	ssyncset.done $0x0;
	(pc) =	sbr.rel @p0 .LBB2_1-.Ltmp1, $4  }
0x4d: {  	[sflag:s13] =	ssyncadd.s32 $0xFFFF9800  }
0x4e: {  	[hbm4b:s18+s2] =	stream.linear.scatter [tilespmem:s8], [sflag:$0x4], $0x6800, $0x38;
	[tilespmem:$0xEA00] =	vst v63  }
0x4f: {  	_ =	swait.ge [sflag:s14], $0x6800  }
0x50: {  	[sflag:s14] =	ssyncset.done $0x0  }
.LBB2_2:
0x51: {  	[sflag:s14] =	ssyncadd.s32 $0xFFFF9800  }
0x52: {  	_ =	sfence.sel $0x180000  }
0x53: {  	[bflag:$0x0] =	sbarrier.arrive $0xFFFF  }
0x54: {  	p0 =	sne.s32 s0, $0x0;
	_ =	strace $0x9000004A  }
0x55: {  	s0 =	sadd.s32 @!p0 $0x100000, s1;
	[bflag:$0x2] =	sbarrier.arrive $0xFFFF  }
0x56: {  	[sflag:s0] =	ssyncadd.tile.s32 @!p0 $0x1;
	_ =	shalt  }
.Lfunc_end2:
_tile_overlayer_lowered:
.L_overlay_start_2:
0x57: {  	(tag) =	ssettag $0x2  }
0x58: {  	s0 =	rddreg [dreg:$0x0];
	s2 =	stileid.u32  }
0x59: {  	s1 =	rddreg [dreg:$0x1];
	p0 =	sne.s32 s2, $0x0  }
0x5a: {  	s3 =	rddreg [dreg:$0x2];
	[bflag:$0x3] =	sbarrier.arrive $0xFFFF;
	s2 =	simm.s32 @!p0 $0x1C05  }
0x5b: {  	[timem:s3], [sflag:s2] =	dma.local @!p0 [hbm:s0], s1  }
0x5c: {  	s0 =	simm.s32 @!p0 $0x5  }
0x5d: {  	_ =	swait.ge @!p0 [sflag:s0], s1  }
0x5e: {  	s1 =	ssub.s32 @!p0 $0x0, s1;
	[sflag:s0] =	ssyncset.done @!p0 $0x0  }
0x5f: {  	[sflag:s0] =	ssyncadd.s32 @!p0 s1  }
0x60: {  	[bflag:$0x3] =	sbarrier.arrive $0xFFFF  }
0x61: {  	_ =	shalt  }

// kernel: kernel.9.cloned.1.call-start
scs
__scs_entry_jumppad:
0x0: {  	(pc) =	sbr.rel $0x88, $3  }
0x1: {  	(tag) =	ssettag $0x0;
	lr =	simm.s32 $0x1  }
0x2: {  	[smem:$0x3F9A] =	sst lr;
	_ =	strace $0xD0000000  }
0x3: {  	_ = 	snop  }
0x4: {  	_ = 	snop  }
0x5: {  	_ = 	snop  }
0x6: {  	_ = 	snop  }
0x7: {  	_ = 	snop  }
__scs_overlays_trampoline_lowered:
0x8: {  	[smem:$0x3FA9] =	sst s0  }
0x9: {  	[smem:$0x3FAA] =	sst s1  }
0xa: {  	[smem:$0x3FAB] =	sst s2  }
0xb: {  	[smem:$0x3FAC] =	sst s3  }
0xc: {  	[smem:$0x3FAD] =	sst s4  }
0xd: {  	[smem:$0x3FAE] =	sst s5  }
0xe: {  	[smem:$0x3FAF] =	sst s6  }
0xf: {  	[smem:$0x3FB0] =	sst s7  }
0x10: {  	[smem:$0x3FB1] =	sst s8  }
0x11: {  	[smem:$0x3FB2] =	sst s9;
	s0 =	simm.s32 @!p0 $0x0  }
0x12: {  	s1 =	sld [smem:$0x3F98];
	s0 =	simm.s32 @p0 $0x1  }
0x13: {  	[smem:$0x3FB3] =	sst s0;
	s0 =	simm.s32 @!p1 $0x0  }
0x14: {  	s2 =	sld [smem:$0x3F97];
	s0 =	simm.s32 @p1 $0x1  }
0x15: {  	[smem:$0x3FB4] =	sst s0;
	s0 =	simm.s32 @!p2 $0x0  }
0x16: {  	s3 =	sld [smem:$0x3FDB];
	s0 =	simm.s32 @p2 $0x1  }
0x17: {  	s4 =	simm.s32 $0x1BF5;
	[smem:$0x3FB6] =	sst s0  }
0x18: {  	s0 =	sld [smem:$0x3F99];
	_ =	swait.ge [sflag:s4], $0x0  }
0x19: {  	s7 =	sld [smem:$0x3F9A]  }
0x1a: {  	s8 =	sadd.s32 $0xFFFFE003, lr  }
0x1b: {  	s9 =	sadd.s32 $0xFFFFFEF7, lr;
	s5 =	simm.s32 $0xFFFFFFFF;
	p2 =	slt.u32 s8, $0xFFFFF086  }
0x1c: {  	p1 =	slt.u32 s9, $0xF7A;
	s5 =	simm.s32 @!p2 $0x0  }
0x1d: {  	s5 =	simm.s32 @p1 $0x1;
	p0 =	seq.s32 s7, s2  }
0x1e: {  	s7 =	smul.u32 @!p0 $0xF7A, s2;
	p2 =	seq.s32 @!p0 s5, $0x0  }
0x1f: {  	s9 =	smul.u32 $0xF7A, s1;
	s8 =	simm.s32 @!p0 $0x1BF5;
	p2 =	por !p2, p0  }
0x20: {  	[sflag:s8] =	ssyncset.s32 @!p0 $0xFFFFF086;
	s6 =	sadd.s32 @!p0 s3, s7;
	s7 =	simm.s32 @!p0 $0x108  }
0x21: {  	s3 =	sadd.s32 s3, s9;
	s6 =	sadd.s32 @!p0 $0x88, s6;
	s7 =	simm.s32 @p2 $0x1082  }
0x22: {  	[simem:s7], [sflag:s8] =	dma.local @!p0 [hbm:s6], $0xF7A  }
0x23: {  	s9 =	sor.u32 $0xD0000000, s2;
	s6 =	simm.s32 $0x108;
	_ =	swait.ge @!p0 [sflag:s8], $0x0  }
0x24: {  	s3 =	sadd.s32 $0x88, s3;
	s6 =	simm.s32 @!p1 $0x1082;
	[sflag:s4] =	ssyncset.s32 $0xFFFFF086  }
0x25: {  	[simem:s6], [sflag:s4] =	dma.local [hbm:s3], $0xF7A  }
0x26: {  	[smem:$0x3F9A] =	sst s1;
	(tag) =	ssettag s2;
	_ =	strace s9  }
0x27: {  	s1 =	sld [smem:$0x3FAA]  }
0x28: {  	s2 =	sld [smem:$0x3FAB]  }
0x29: {  	s4 =	sld [smem:$0x3FAD]  }
0x2a: {  	p0 =	seq.s32 s5, $0x0;
	s5 =	sld [smem:$0x3FAE]  }
0x2b: {  	s6 =	sld [smem:$0x3FAF]  }
0x2c: {  	s7 =	sld [smem:$0x3FB0]  }
0x2d: {  	s3 =	simm.s32 $0x108;
	s8 =	sld [smem:$0x3FB1]  }
0x2e: {  	s3 =	simm.s32 @!p0 $0x1082;
	s9 =	sld [smem:$0x3FB2]  }
0x2f: {  	lr =	sadd.s32 s0, s3;
	s0 =	sld [smem:$0x3FA9]  }
0x30: {  	s3 =	sld [smem:$0x3FAC]  }
0x31: {  	[smem:$0x3FB5] =	sst s10  }
0x32: {  	s10 =	sld [smem:$0x3FB3];
	_ =	sdelay $0x3  }
0x33: {  	p0 =	seq.s32 s10, $0x1;
	s10 =	sld [smem:$0x3FB5];
	_ =	sdelay $0x3  }
0x34: {  	[smem:$0x3FB5] =	sst s10  }
0x35: {  	s10 =	sld [smem:$0x3FB4];
	_ =	sdelay $0x3  }
0x36: {  	p1 =	seq.s32 s10, $0x1;
	s10 =	sld [smem:$0x3FB5];
	_ =	sdelay $0x3  }
0x37: {  	[smem:$0x3FB5] =	sst s10  }
0x38: {  	s10 =	sld [smem:$0x3FB6]  }
0x39: {  	_ = 	snop;
	(pc) =	sbr.ind lr, $3  }
0x3a: {  	_ = 	snop  }
0x3b: {  	_ = 	snop  }
0x3c: {  	p2 =	seq.s32 s10, $0x1;
	s10 =	sld [smem:$0x3FB5]  }
0x3d: {  	_ =	shalt  }
0x3e: {  	_ =	shalt  }
0x3f: {  	_ =	shalt  }
0x40: {  	_ =	shalt  }
0x41: {  	_ =	shalt  }
0x42: {  	_ =	shalt  }
0x43: {  	_ =	shalt  }
0x44: {  	_ =	shalt  }
0x45: {  	_ =	shalt  }
0x46: {  	_ =	shalt  }
0x47: {  	_ =	shalt  }
0x48: {  	_ =	shalt  }
0x49: {  	_ =	shalt  }
0x4a: {  	_ =	shalt  }
0x4b: {  	_ =	shalt  }
0x4c: {  	_ =	shalt  }
0x4d: {  	_ =	shalt  }
0x4e: {  	_ =	shalt  }
0x4f: {  	_ =	shalt  }
0x50: {  	_ =	shalt  }
0x51: {  	_ =	shalt  }
0x52: {  	_ =	shalt  }
0x53: {  	_ =	shalt  }
0x54: {  	_ =	shalt  }
0x55: {  	_ =	shalt  }
0x56: {  	_ =	shalt  }
0x57: {  	_ =	shalt  }
0x58: {  	_ =	shalt  }
0x59: {  	_ =	shalt  }
0x5a: {  	_ =	shalt  }
0x5b: {  	_ =	shalt  }
0x5c: {  	_ =	shalt  }
0x5d: {  	_ =	shalt  }
0x5e: {  	_ =	shalt  }
0x5f: {  	_ =	shalt  }
0x60: {  	_ =	shalt  }
0x61: {  	_ =	shalt  }
0x62: {  	_ =	shalt  }
0x63: {  	_ =	shalt  }
0x64: {  	_ =	shalt  }
0x65: {  	_ =	shalt  }
0x66: {  	_ =	shalt  }
0x67: {  	_ =	shalt  }
0x68: {  	_ =	shalt  }
0x69: {  	_ =	shalt  }
0x6a: {  	_ =	shalt  }
0x6b: {  	_ =	shalt  }
0x6c: {  	_ =	shalt  }
0x6d: {  	_ =	shalt  }
0x6e: {  	_ =	shalt  }
0x6f: {  	_ =	shalt  }
0x70: {  	_ =	shalt  }
0x71: {  	_ =	shalt  }
0x72: {  	_ =	shalt  }
0x73: {  	_ =	shalt  }
0x74: {  	_ =	shalt  }
0x75: {  	_ =	shalt  }
0x76: {  	_ =	shalt  }
0x77: {  	_ =	shalt  }
0x78: {  	_ =	shalt  }
0x79: {  	_ =	shalt  }
0x7a: {  	_ =	shalt  }
0x7b: {  	_ =	shalt  }
0x7c: {  	_ =	shalt  }
0x7d: {  	_ =	shalt  }
0x7e: {  	_ =	shalt  }
0x7f: {  	_ =	shalt  }
0x80: {  	_ =	shalt  }
0x81: {  	_ =	shalt  }
0x82: {  	_ =	shalt  }
0x83: {  	_ =	shalt  }
0x84: {  	_ =	shalt  }
0x85: {  	_ =	shalt  }
0x86: {  	_ =	shalt  }
0x87: {  	_ =	shalt  }
.Lfunc_end0:
.L_simem_size_0:
called_computation.1_lowered:
.L_overlay_start_0:
0x88: {  	s2 =	sld [smem:$0x3FD9]  }
0x89: {  	s3 =	sld [smem:$0x3FFE];
	_ =	sdelay $0x1  }
0x8a: {  	s1 =	srdreg.scid  }
0x8b: {  	s0 =	sand.u32 $0x1, s1  }
0x8c: {  	s16 =	sshll.u32 s0, $0xA;
	s2 =	sadd.s32 s3, s2  }
0x8d: {  	s2 =	sadd.s32 s2, s16  }
0x8e: {  	[smem:$0x3FC1] =	sst s2  }
0x8f: {  	_ = 	snop  }
0x90: {  	(tm) =	ssettm $0x1  }
0x91: {  	s17 =	sld [smem:$0x3FFB];
	_ =	sdelay $0x3  }
0x92: {  	_ =	strace s17  }
0x93: {  	s2 =	sld [smem:$0x3FFC];
	_ =	sdelay $0x3  }
0x94: {  	_ =	strace s2  }
0x95: {  	s2 =	sld [smem:$0x3FFD];
	_ =	sdelay $0x3  }
0x96: {  	_ =	strace s2  }
0x97: {  	_ =	strace $0x8FFFFFFF  }
0x98: {  	s18 =	sld [smem:$0x3FDB];
	_ =	sdelay $0x1  }
0x99: {  	s19 =	simm.s32 $_scs_section_size  }
0x9a: {  	s4 =	simm.s32 $_size__tile_overlayer_lowered;
	s5 =	simm.s32 $_tile_overlayer_lowered  }
0x9b: {  	s22 =	simm.s32 $0x1BFF;
	s21 =	sshll.u32 s5, $0x1;
	s2 =	sadd.s32 s19, s18  }
0x9c: {  	s6 =	simm.s32 $0x0;
	s20 =	sshll.u32 s4, $0x1;
	s4 =	sadd.s32 s21, s2  }
0x9d: {  	[timem:s6], [sflag:s22] =	dma.local [hbm:s4], s20  }
0x9e: {  	_ =	swait.ge [sflag:s22], s20  }
0x9f: {  	s3 =	ssub.s32 $0x0, s20;
	[sflag:s22] =	ssyncset.done $0x0  }
0xa0: {  	[sflag:s22] =	ssyncadd.s32 s3;
	_ =	sdelay $0x1  }
0xa1: {  	s23 =	simm.s32 $0x1B8B  }
0xa2: {  	_ =	swait.ge [sflag:s23], $0x1  }
0xa3: {  	[sflag:s23] =	ssyncset.done $0x0  }
0xa4: {  	s25 =	simm.s32 $0x1B8E;
	s24 =	sld [smem:$0x3FFE];
	[sflag:s23] =	ssyncadd.s32 $0xFFFFFFFF  }
0xa5: {  	s26 =	simm.s32 $execute0_lowered;
	[smem:$0x3FD2] =	sst s25  }
0xa6: {  	s4 =	sshll.u32 s26, $0x1;
	_ =	strace $0x80000046;
	[dreg:$0x1] =	wrdreg $0xFFFFFFFF  }
0xa7: {  	s28 =	simm.s32 $_size_execute0_lowered;
	s2 =	sadd.s32 s2, s4;
	[dreg:$0x0] =	wrdreg $0x0  }
0xa8: {  	s4 =	sshll.u32 s28, $0x1;
	[dreg:$0x2] =	wrdreg s2  }
0xa9: {  	[dreg:$0x3] =	wrdreg s4  }
0xaa: {  	[dreg:$0x4] =	wrdreg $0xC0  }
0xab: {  	_ =	task [dreg:s6], $0x5FFFF  }
0xac: {  	[dreg:$0x1] =	wrdreg $0xFFFFFFFF  }
0xad: {  	[dreg:$0x0] =	wrdreg $0x60  }
0xae: {  	[dreg:$0x2] =	wrdreg s24  }
0xaf: {  	[dreg:$0x3] =	wrdreg $0xA  }
0xb0: {  	_ =	task.clear_ibuf [dreg:s6], $0x4FFFF;
	_ =	strace $0x90000046  }
0xb1: {  	s29 =	simm.s32 $0xA;
	_ =	strace $0x80000048  }
0xb2: {  	_ =	swait.ge [sflag:s29], $0x1  }
0xb3: {  	[sflag:s29] =	ssyncadd.s32 $0xFFFFFFFF  }
0xb4: {  	_ =	strace $0x90000048  }
0xb5: {  	_ =	sfence  }
0xb6: {  	s30 =	sld [smem:$0x0];
	_ =	sdelay $0x2  }
0xb7: {  	s31 =	sshll.u32 s1, $0xD;
	s1 =	sshrl.u32 s1, $0x2  }
0xb8: {  	s3 =	sand.u32 $0x4000, s31;
	s1 =	sadd.s32 s1, s30  }
0xb9: {  	s0 =	sor.u32 s3, s0;
	s1 =	sshll.u32 s1, $0x11  }
0xba: {  	s0 =	sor.u32 s1, s0  }
0xbb: {  	s0 =	sadd.s32 $0x8F2B, s0  }
0xbc: {  	[sflag:s0] =	ssyncadd.remote.s32 $0x1  }
0xbd: {  	_ =	sfence.sel $0xFFFF  }
0xbe: {  	[dreg:$0x0] =	wrdreg $0xFFFFFFFF;
	(pc) =	sbr.abs _section_cstart, $3  }
0xbf: {  	[dreg:$0x1] =	wrdreg $0xFFFFFFFF  }
0xc0: {  	_ =	task.clear_ibuf [dreg:s6], $0x2FFFF;
	_ =	strace $0x9FFFFFFF  }
0xc1: {  	(tm) =	ssettm $0x7FFFFFFF  }
tec
execute0_lowered:
.L_overlay_start_1:
0x0: {  	(tag) =	ssettag $0x1  }
0x1: {  	s1 =	srdreg.scid;
	s0 =	stileid.u32  }
0x2: {  	s18 =	sand.u32 $0x1, s1;
	s30 =	sshll.u32 s0, $0x1  }
0x3: {  	s12 =	sor.u32 s18, s30  }
0x4: {  	s3 =	smul.u32 $0x340, s12  }
0x5: {  	s10 =	rddreg [dreg:$0x0];
	s2 =	simm.s32 $0x0  }
0x6: {  	s4 =	simm.s32 $0x5;
	[smem:$0x7FF] =	sst s2;
	s3 =	sadd.s32 s3, s10  }
0x7: {  	s1 =	rddreg [dreg:$0x1];
	_ =	strace $0x80000047;
	s3 =	sadd.s32 $0x1C00, s3  }
0x8: {  	[tilespmem:s2], [sflag:$0x5] =	stream.linear.gather [hbm4b:s3+s2], $0x1A00, $0x38;
	[tilespmem:$0xEA00] =	vst v63  }
0x9: {  	_ =	swait.ge [sflag:s4], $0x1A00  }
0xa: {  	s6 =	simm.s32 $0x680;
	[sflag:s4] =	ssyncset.done $0x0  }
0xb: {  	s7 =	simm.s32 $0x1A00;
	s5 =	sadd.s32 $0xF44000, s10;
	[sflag:s4] =	ssyncadd.s32 $0xFFFFE600  }
0xc: {  	[tilespmem:s7], [sflag:$0x1] =	stream.indirect.gather [hbm4b:s5+s6], $0x10, s2, s6, $0xb8;
	[tilespmem:$0xEA00] =	vst v63  }
0xd: {  	s8 =	simm.s32 $0x8200;
	s9 =	simm.s32 $0x1  }
0xe: {  	[tilespmem:s8], [sflag:$0x2] =	stream.indirect.gather [hbm4b:s5+s6], $0x10, s6, s6, $0xb8;
	[tilespmem:$0xEA00] =	vst v63  }
0xf: {  	s11 =	smul.u32 $0x3400, s12;
	_ =	swait.ge [sflag:s9], $0x6800  }
0x10: {  	s14 =	sadd.s32 $0x8400, s10;
	[sflag:s9] =	ssyncset.done $0x0  }
0x11: {  	s10 =	sadd.s32 s14, s11;
	s11 =	simm.s32 $0x3;
	[sflag:s9] =	ssyncadd.s32 $0xFFFF9800  }
0x12: {  	[hbm4b:s10+s2] =	stream.linear.scatter [tilespmem:s7], [sflag:$0x3], $0x6800, $0x38;
	[tilespmem:$0xEA00] =	vst v63  }
0x13: {  	_ =	swait.ge [sflag:s11], $0x6800  }
0x14: {  	s13 =	simm.s32 $0x2;
	[sflag:s11] =	ssyncset.done $0x0  }
0x15: {  	s15 =	smul.u32 $0x1A000, s12;
	s12 =	simm.s32 $0xD00;
	[sflag:s11] =	ssyncadd.s32 $0xFFFF9800  }
0x16: {  	[tilespmem:s7], [sflag:$0x1] =	stream.indirect.gather [hbm4b:s5+s6], $0x10, s12, s6, $0xb8;
	[tilespmem:$0xEA00] =	vst v63  }
0x17: {  	s15 =	sshrl.u32 s15, $0x3;
	_ =	swait.ge [sflag:s13], $0x6800  }
0x18: {  	s19 =	sadd.s32 s14, s15;
	[sflag:s13] =	ssyncset.done $0x0  }
0x19: {  	s14 =	simm.s32 $0x4;
	s15 =	sadd.s32 $0xD00, s19;
	[sflag:s13] =	ssyncadd.s32 $0xFFFF9800  }
0x1a: {  	[hbm4b:s15+s2] =	stream.linear.scatter [tilespmem:s8], [sflag:$0x4], $0x6800, $0x38;
	[tilespmem:$0xEA00] =	vst v63  }
0x1b: {  	_ =	swait.ge [sflag:s14], $0x6800  }
0x1c: {  	[sflag:s14] =	ssyncset.done $0x0  }
0x1d: {  	s16 =	simm.s32 $0x1380;
	[sflag:s14] =	ssyncadd.s32 $0xFFFF9800  }
0x1e: {  	[tilespmem:s8], [sflag:$0x2] =	stream.indirect.gather [hbm4b:s5+s6], $0x10, s16, s6, $0xb8;
	[tilespmem:$0xEA00] =	vst v63  }
0x1f: {  	_ =	swait.ge [sflag:s9], $0x6800  }
0x20: {  	[sflag:s9] =	ssyncset.done $0x0  }
0x21: {  	s18 =	ssub.s32 $0x2, s18;
	s17 =	sadd.s32 $0x1A00, s19;
	[sflag:s9] =	ssyncadd.s32 $0xFFFF9800  }
0x22: {  	[hbm4b:s17+s2] =	stream.linear.scatter [tilespmem:s7], [sflag:$0x3], $0x6800, $0x38;
	[tilespmem:$0xEA00] =	vst v63  }
0x23: {  	s20 =	sshrl.u32 s18, $0x1;
	_ =	swait.ge [sflag:s11], $0x6800  }
0x24: {  	s20 =	ssub.s32 s18, s20;
	[sflag:s11] =	ssyncset.done $0x0  }
0x25: {  	s31 =	smax.u32 s20, $0x1;
	[sflag:s11] =	ssyncadd.s32 $0xFFFF9800  }
0x26: {  	p0 =	sne.s32 s31, $0x1;
	_ =	swait.ge [sflag:s13], $0x6800  }
.Ltmp0:
0x27: {  	[sflag:s13] =	ssyncset.done $0x0;
	(pc) =	sbr.rel @!p0 .LBB2_2-.Ltmp0, $4  }
0x28: {  	s18 =	sadd.s32 $0x2700, s19;
	[sflag:s13] =	ssyncadd.s32 $0xFFFF9800  }
0x29: {  	[hbm4b:s18+s2] =	stream.linear.scatter [tilespmem:s8], [sflag:$0x4], $0x6800, $0x38;
	[tilespmem:$0xEA00] =	vst v63  }
0x2a: {  	_ =	swait.ge [sflag:s14], $0x6800  }
0x2b: {  	s19 =	sadd.s32 $0xFFFFFFFF, s31;
	[sflag:s14] =	ssyncset.done $0x0  }
.LBB2_1:
0x2c: {  	p0 =	sne.s32 s19, $0x1;
	s19 =	sadd.s32 $0xFFFFFFFF, s19;
	[sflag:s14] =	ssyncadd.s32 $0xFFFF9800  }
0x2d: {  	[tilespmem:s2], [sflag:$0x5] =	stream.linear.gather [hbm4b:s3+s2], $0x1A00, $0x38;
	[tilespmem:$0xEA00] =	vst v63  }
0x2e: {  	_ =	swait.ge [sflag:s4], $0x1A00  }
0x2f: {  	[sflag:s4] =	ssyncset.done $0x0  }
0x30: {  	[sflag:s4] =	ssyncadd.s32 $0xFFFFE600  }
0x31: {  	[tilespmem:s7], [sflag:$0x1] =	stream.indirect.gather [hbm4b:s5+s6], $0x10, s2, s6, $0xb8;
	[tilespmem:$0xEA00] =	vst v63  }
0x32: {  	_ = 	snop  }
0x33: {  	[tilespmem:s8], [sflag:$0x2] =	stream.indirect.gather [hbm4b:s5+s6], $0x10, s6, s6, $0xb8;
	[tilespmem:$0xEA00] =	vst v63  }
0x34: {  	_ =	swait.ge [sflag:s9], $0x6800  }
0x35: {  	[sflag:s9] =	ssyncset.done $0x0  }
0x36: {  	[sflag:s9] =	ssyncadd.s32 $0xFFFF9800  }
0x37: {  	[hbm4b:s10+s2] =	stream.linear.scatter [tilespmem:s7], [sflag:$0x3], $0x6800, $0x38;
	[tilespmem:$0xEA00] =	vst v63  }
0x38: {  	_ =	swait.ge [sflag:s11], $0x6800  }
0x39: {  	[sflag:s11] =	ssyncset.done $0x0  }
0x3a: {  	[sflag:s11] =	ssyncadd.s32 $0xFFFF9800  }
0x3b: {  	[tilespmem:s7], [sflag:$0x1] =	stream.indirect.gather [hbm4b:s5+s6], $0x10, s12, s6, $0xb8;
	[tilespmem:$0xEA00] =	vst v63  }
0x3c: {  	_ =	swait.ge [sflag:s13], $0x6800  }
0x3d: {  	[sflag:s13] =	ssyncset.done $0x0  }
0x3e: {  	[sflag:s13] =	ssyncadd.s32 $0xFFFF9800  }
0x3f: {  	[hbm4b:s15+s2] =	stream.linear.scatter [tilespmem:s8], [sflag:$0x4], $0x6800, $0x38;
	[tilespmem:$0xEA00] =	vst v63  }
0x40: {  	_ =	swait.ge [sflag:s14], $0x6800  }
0x41: {  	[sflag:s14] =	ssyncset.done $0x0  }
0x42: {  	[sflag:s14] =	ssyncadd.s32 $0xFFFF9800  }
0x43: {  	[tilespmem:s8], [sflag:$0x2] =	stream.indirect.gather [hbm4b:s5+s6], $0x10, s16, s6, $0xb8;
	[tilespmem:$0xEA00] =	vst v63  }
0x44: {  	_ =	swait.ge [sflag:s9], $0x6800  }
0x45: {  	[sflag:s9] =	ssyncset.done $0x0  }
0x46: {  	[sflag:s9] =	ssyncadd.s32 $0xFFFF9800  }
0x47: {  	[hbm4b:s17+s2] =	stream.linear.scatter [tilespmem:s7], [sflag:$0x3], $0x6800, $0x38;
	[tilespmem:$0xEA00] =	vst v63  }
0x48: {  	_ =	swait.ge [sflag:s11], $0x6800  }
0x49: {  	[sflag:s11] =	ssyncset.done $0x0  }
0x4a: {  	[sflag:s11] =	ssyncadd.s32 $0xFFFF9800  }
0x4b: {  	_ =	swait.ge [sflag:s13], $0x6800  }
.Ltmp1:
0x4c: {  	[sflag:s13] =	ssyncset.done $0x0;
	(pc) =	sbr.rel @p0 .LBB2_1-.Ltmp1, $4  }
0x4d: {  	[sflag:s13] =	ssyncadd.s32 $0xFFFF9800  }
0x4e: {  	[hbm4b:s18+s2] =	stream.linear.scatter [tilespmem:s8], [sflag:$0x4], $0x6800, $0x38;
	[tilespmem:$0xEA00] =	vst v63  }
0x4f: {  	_ =	swait.ge [sflag:s14], $0x6800  }
0x50: {  	[sflag:s14] =	ssyncset.done $0x0  }
.LBB2_2:
0x51: {  	[sflag:s14] =	ssyncadd.s32 $0xFFFF9800  }
0x52: {  	_ =	sfence.sel $0x180000  }
0x53: {  	[bflag:$0x0] =	sbarrier.arrive $0xFFFF  }
0x54: {  	p0 =	sne.s32 s0, $0x0;
	_ =	strace $0x90000047  }
0x55: {  	s0 =	sadd.s32 @!p0 $0x100000, s1;
	[bflag:$0x2] =	sbarrier.arrive $0xFFFF  }
0x56: {  	[sflag:s0] =	ssyncadd.tile.s32 @!p0 $0x1;
	_ =	shalt  }
.Lfunc_end2:
_tile_overlayer_lowered:
.L_overlay_start_2:
0x57: {  	(tag) =	ssettag $0x2  }
0x58: {  	s0 =	rddreg [dreg:$0x0];
	s2 =	stileid.u32  }
0x59: {  	s1 =	rddreg [dreg:$0x1];
	p0 =	sne.s32 s2, $0x0  }
0x5a: {  	s3 =	rddreg [dreg:$0x2];
	[bflag:$0x3] =	sbarrier.arrive $0xFFFF;
	s2 =	simm.s32 @!p0 $0x1C05  }
0x5b: {  	[timem:s3], [sflag:s2] =	dma.local @!p0 [hbm:s0], s1  }
0x5c: {  	s0 =	simm.s32 @!p0 $0x5  }
0x5d: {  	_ =	swait.ge @!p0 [sflag:s0], s1  }
0x5e: {  	s1 =	ssub.s32 @!p0 $0x0, s1;
	[sflag:s0] =	ssyncset.done @!p0 $0x0  }
0x5f: {  	[sflag:s0] =	ssyncadd.s32 @!p0 s1  }
0x60: {  	[bflag:$0x3] =	sbarrier.arrive $0xFFFF  }
0x61: {  	_ =	shalt  }

</sc_bundles>
